<compile_context>
chip_gen: v7x
topology: tpu7x:2x2x1
jax: 0.10.2.dev20260603
libtpu: 0.0.44.dev20260713+nightly
codegen_flags: <defaults>
</compile_context>

<pallas_src>
import functools

import jax
import jax.numpy as jnp
from jax import lax
from jax.experimental import pallas as pl
from jax.experimental.pallas import tpu as pltpu
from jax.experimental.pallas import tpu_sc as plsc

F = 26
D = 32
B = 16384
V = 2600000
NC, NS, L = 2, 16, 16
NW = NC * NS
FPC = F // NC
BPT = B // NS
NGF = BPT // 128

TILE = 128
NT_FULL = V // TILE
W_LAST = V - NT_FULL * TILE
VP = V * D // TILE
GW = 4 * TILE
NGRP = NT_FULL // 4
GPW = -(-NGRP // NW)
VHALF = -(-GPW // 2)


def _transpose_body(tt_hbm, tail_hbm, tlin4_hbm,
                    t4a, t4b, r4a, r4b, tailv, rsa, rsb, wsa, wsb):
    c = lax.axis_index("c")
    s = lax.axis_index("s")
    w = s * NC + c
    iota = lax.iota(jnp.int32, L)

    g0 = w * GPW
    gend = jnp.minimum(g0 + GPW, NGRP)
    n = gend - g0

    def read(g, buf, sem):
        return pltpu.async_copy(tt_hbm.at[:, pl.ds(g * GW, GW)], buf, sem)

    def transpose_group(src, dst):
        def tdg(d0, _):
            cvec = lax.rem(d0 + iota, D)
            svec = iota * D + cvec

            @plsc.parallel_loop(0, GW // L, unroll=8)
            def _(q):
                val = plsc.load_gather(src, [cvec, iota + q * L])
                plsc.store_scatter(dst, [svec + q * L * D], val)
            return ()
        lax.fori_loop(0, D, tdg, ())

    @pl.when(n > 0)
    def _():
        read(g0, t4a, rsa).wait()

    def step(v, _):
        for lg, tbuf, rbuf, rsem, wsem, rsem_n, tbuf_n in (
                (2 * v, t4a, r4a, rsa, wsa, rsb, t4b),
                (2 * v + 1, t4b, r4b, rsb, wsb, rsa, t4a)):
            g = g0 + lg

            @pl.when(g < gend)
            def _(lg=lg, tbuf=tbuf, rbuf=rbuf, rsem=rsem, wsem=wsem,
                  rsem_n=rsem_n, tbuf_n=tbuf_n, g=g):
                @pl.when(lg > 0)
                def _():
                    pltpu.make_async_copy(
                        tt_hbm.at[:, pl.ds(0, GW)], tbuf, rsem).wait()

                @pl.when(g + 1 < gend)
                def _():
                    read(g + 1, tbuf_n, rsem_n)

                transpose_group(tbuf, rbuf)

                @pl.when(lg >= 2)
                def _():
                    pltpu.make_async_copy(
                        rbuf, tlin4_hbm.at[pl.ds(0, GW * D)], wsem).wait()

                pltpu.async_copy(rbuf,
                                 tlin4_hbm.at[pl.ds(g * GW * D, GW * D)],
                                 wsem)
        return ()
    lax.fori_loop(0, VHALF, step, ())

    @pl.when(n >= 1)
    def _():
        pltpu.make_async_copy(r4a, tlin4_hbm.at[pl.ds(0, GW * D)], wsa).wait()

    @pl.when(n >= 2)
    def _():
        pltpu.make_async_copy(r4b, tlin4_hbm.at[pl.ds(0, GW * D)], wsb).wait()

    @pl.when(w == NW - 1)
    def _():
        pltpu.sync_copy(tail_hbm, tailv)

        def tl(j, _):
            for h in range(2):
                r4a[pl.ds(j * D + L * h, L)] = tailv[j, pl.ds(L * h, L)]
            return ()
        lax.fori_loop(0, W_LAST, tl, (), unroll=4)
        pltpu.sync_copy(r4a.at[pl.ds(0, W_LAST * D)],
                        tlin4_hbm.at[pl.ds(NT_FULL * TILE * D, W_LAST * D)])


def _lookup_body(xtf_hbm, offr_hbm, tlin_hbm, bias_hbm, out_hbm,
                 xv, idx_v, rows_v, obuf, offs_v, bias_v, sem):
    c = lax.axis_index("c")
    s = lax.axis_index("s")
    iota = lax.iota(jnp.int32, L)

    pltpu.sync_copy(offr_hbm, offs_v)
    pltpu.sync_copy(bias_hbm, bias_v.at[pl.ds(0, F * D)])

    b0 = s * BPT
    zeros = jnp.zeros((L,), jnp.int32)

    def feat_body(fi, _):
        f = c * FPC + fi
        off_splat = offs_v[pl.ds(f * L, L)]

        pltpu.sync_copy(xtf_hbm.at[pl.ds(f * B + b0, BPT)], xv)

        @plsc.parallel_loop(0, BPT // L, unroll=8)
        def _(i):
            idx_v[i // 8, pl.ds(lax.rem(i, 8) * L, L)] = \
                xv[pl.ds(i * L, L)] + off_splat

        cps = [pltpu.async_copy(tlin_hbm.at[idx_v.at[j]],
                                rows_v.at[pl.ds(j * 128, 128)], sem)
               for j in range(NGF)]
        for cp in cps:
            cp.wait()

        def td(d0, _):
            cvec = lax.rem(d0 + iota, D)
            bvec = plsc.load_gather(bias_v, [cvec + f * D])
            dvec = cvec // 8 * 8192 + lax.rem(cvec, 8) * 128 + iota

            @plsc.parallel_loop(0, BPT // L, unroll=8)
            def _(q):
                val = plsc.load_gather(rows_v, [iota + q * L, cvec])
                base = q * L // 128 * 1024 + lax.rem(q * L, 128)
                plsc.store_scatter(obuf, [dvec + base], val + bvec)
            return ()
        lax.fori_loop(0, D, td, ())

        for a in range(D // 8):
            pltpu.sync_copy(
                obuf.at[pl.ds(a * 8192, 8192)],
                out_hbm.at[pl.ds((f * 4 + a) * 131072 + s * 8192, 8192)])
        return ()
    lax.fori_loop(0, FPC, feat_body, ())


def _mk_ka():
    mesh = plsc.VectorSubcoreMesh(core_axis_name="c", subcore_axis_name="s")
    return pl.kernel(
        _transpose_body,
        out_type=jax.ShapeDtypeStruct((V * D,), jnp.float32),
        mesh=mesh,
        compiler_params=pltpu.CompilerParams(use_tc_tiling_on_sc=True,
                                             needs_layout_passes=False,
                                             disable_bounds_checks=True),
        scratch_types=[
            pltpu.VMEM((D, GW), jnp.float32),
            pltpu.VMEM((D, GW), jnp.float32),
            pltpu.VMEM((GW * D,), jnp.float32),
            pltpu.VMEM((GW * D,), jnp.float32),
            pltpu.VMEM((W_LAST, TILE), jnp.float32),
            pltpu.SemaphoreType.DMA,
            pltpu.SemaphoreType.DMA,
            pltpu.SemaphoreType.DMA,
            pltpu.SemaphoreType.DMA,
        ],
    )


def _mk_kb():
    mesh = plsc.VectorSubcoreMesh(core_axis_name="c", subcore_axis_name="s")
    return pl.kernel(
        _lookup_body,
        out_type=jax.ShapeDtypeStruct((F * D * B,), jnp.float32),
        mesh=mesh,
        compiler_params=pltpu.CompilerParams(use_tc_tiling_on_sc=False,
                                             needs_layout_passes=False,
                                             disable_bounds_checks=True),
        scratch_types=[
            pltpu.VMEM((BPT,), jnp.int32),
            pltpu.VMEM((NGF, 128), jnp.int32),
            pltpu.VMEM((BPT, D), jnp.float32),
            pltpu.VMEM((D // 8 * BPT // 128 * 8 * 128,), jnp.float32),
            pltpu.VMEM((F * L,), jnp.int32),
            pltpu.VMEM((896,), jnp.float32),
            pltpu.SemaphoreType.DMA,
        ],
    )


@functools.partial(jax.jit, static_argnames=())
def kernel(x, table, bias, offsets):
    tail = jnp.pad(table[V - W_LAST:, :], ((0, 0), (0, TILE - D)))
    tlin1 = _mk_ka()(table.T, tail)
    tlin = tlin1.reshape(V, D)

    offs_rep = jnp.repeat(offsets, L)
    out1 = _mk_kb()(x.T.reshape(-1), offs_rep, tlin, bias.reshape(-1))
    out5 = out1.reshape(F, D // 8, B // 128, 8, 128)
    return out5.transpose(2, 4, 0, 1, 3).reshape(B, F, D)

# --- scband reference (transcript-rebuilt; emitter-appended) ---
"""Pipeline reference for scband-categorical-feature-tokenizer-37778532336052 (READ-ONLY COPY).

The authoritative reference and input builder live on the scoring server;
editing this copy changes nothing except your own understanding.
"""

import jax, jax.numpy as jnp
import numpy as np

NUM_CATEGORIES = [100000] * 26
D_TOKEN = 32
BATCH = 16384


def setup_inputs(seed: int = 0) -> dict:
    key = jax.random.key(seed)
    k1, k2, k3 = jax.random.split(key, 3)
    # categorical indices, each column in [0, num_categories[i])
    x = jax.random.randint(k1, (BATCH, len(NUM_CATEGORIES)), 0, 100000, dtype=jnp.int32)
    d = D_TOKEN
    # normal init scaled by d**-0.5 (matches _TokenInitialization 'normal')
    table = jax.random.normal(k2, (int(sum(NUM_CATEGORIES)), d), dtype=jnp.float32) * (d ** -0.5)
    bias = jax.random.normal(k3, (len(NUM_CATEGORIES), d), dtype=jnp.float32) * (d ** -0.5)
    offsets = jnp.asarray(np.concatenate([[0], np.cumsum(NUM_CATEGORIES[:-1])]), dtype=jnp.int32)
    return {"x": x, "table": table, "bias": bias, "offsets": offsets}


def reference(x, table, bias, offsets):
    # x: int[B, F]; offsets: int[F]; table: float[sum(num_categories), d]; bias: float[F, d]
    idx = x + offsets[None, :]
    out = jnp.take(table, idx, axis=0)  # [B, F, d]
    out = out + bias[None, :, :]
    return out

if __name__ == "__main__":
    import jax
    _d = setup_inputs()
    print(jax.jit(kernel)(*tuple(_d.values())))

</pallas_src>

<mosaic_0001>
#map = affine_map<(d0, d1) -> (0, 0)>
#map1 = affine_map<(d0, d1) -> (0)>
module attributes {stable_mosaic.version = 14 : i64} {
  func.func @_transpose_body(%arg0: i32, %arg1: i32, %arg2: memref<32x2600000xf32, #tpu.memory_space<hbm>>, %arg3: memref<64x128xf32, #tpu.memory_space<hbm>>, %arg4: memref<83200000xf32, #tpu.memory_space<hbm>>, %arg5: memref<32x512xf32, #tpu.memory_space<vmem>>, %arg6: memref<32x512xf32, #tpu.memory_space<vmem>>, %arg7: memref<16384xf32, #tpu.memory_space<vmem>>, %arg8: memref<16384xf32, #tpu.memory_space<vmem>>, %arg9: memref<64x128xf32, #tpu.memory_space<vmem>>, %arg10: memref<!tpu.dma_semaphore, #tpu.memory_space<semaphore_mem>>, %arg11: memref<!tpu.dma_semaphore, #tpu.memory_space<semaphore_mem>>, %arg12: memref<!tpu.dma_semaphore, #tpu.memory_space<semaphore_mem>>, %arg13: memref<!tpu.dma_semaphore, #tpu.memory_space<semaphore_mem>>) attributes {dimension_semantics = [#tpu.dimension_semantics<core_parallel>, #tpu.dimension_semantics<subcore_parallel>], iteration_bounds = array<i64: 2, 16>, scalar_prefetch = 0 : i64, scratch_operands = 9 : i64, tpu.core_type = #tpu.core_type<sc_vector_subcore>, window_params = [{transform_indices = #map}, {transform_indices = #map}, {transform_indices = #map1}]} {
    %mul3A = arith.constant 2 : i32
    %mul3A_0 = arith.muli %arg1, %mul3A : i32
    %add3A = arith.addi %mul3A_0, %arg0 : i32
    %iota3A = tpu.iota {dimensions = array<i32: 0>} : vector<16xi32>
    %mul3A_1 = arith.constant 159 : i32
    %mul3A_2 = arith.muli %add3A, %mul3A_1 : i32
    %add3A_3 = arith.constant 159 : i32
    %add3A_4 = arith.addi %mul3A_2, %add3A_3 : i32
    %min3A = arith.constant 5078 : i32
    %min3A_5 = arith.minsi %add3A_4, %min3A : i32
    %sub3A = arith.subi %min3A_5, %mul3A_2 : i32
    %gt3A = arith.constant 0 : i32
    %gt3A_6 = arith.cmpi sgt, %sub3A, %gt3A : i32
    %convert_element_type3A = arith.extui %gt3A_6 : i1 to i32
    %cond3A = arith.constant 0 : i32
    %cond3A_7 = arith.cmpi ne, %convert_element_type3A, %cond3A : i32
    scf.if %cond3A_7 {
      %mul3A_25 = arith.constant 512 : i32
      %mul3A_26 = arith.muli %mul3A_2, %mul3A_25 : i32
      %dma_start3A = arith.constant 0 : i32
      %dma_start3A_27 = tpu.memref_slice %arg2[%dma_start3A, %mul3A_26] : memref<32x2600000xf32, #tpu.memory_space<hbm>> -> memref<32x512xf32, #tpu.memory_space<hbm>>
      %dma_start3A_28 = arith.constant 0 : i32
      %dma_start3A_29 = tpu.memref_slice %arg2[%dma_start3A_28, %mul3A_26] : memref<32x2600000xf32, #tpu.memory_space<hbm>> -> memref<32x512xf32, #tpu.memory_space<hbm>>
      tpu.enqueue_dma source(%dma_start3A_29 : memref<32x512xf32, #tpu.memory_space<hbm>>) target(%arg5 : memref<32x512xf32, #tpu.memory_space<vmem>>) target_semaphore(%arg10 : memref<!tpu.dma_semaphore, #tpu.memory_space<semaphore_mem>>)
      %dma_wait3A = arith.constant 0 : i32
      %dma_wait3A_30 = tpu.memref_slice %arg2[%dma_wait3A, %mul3A_26] : memref<32x2600000xf32, #tpu.memory_space<hbm>> -> memref<32x512xf32, #tpu.memory_space<hbm>>
      %dma_wait3A_31 = arith.constant 0 : i32
      %dma_wait3A_32 = tpu.memref_slice %arg2[%dma_wait3A_31, %mul3A_26] : memref<32x2600000xf32, #tpu.memory_space<hbm>> -> memref<32x512xf32, #tpu.memory_space<hbm>>
      tpu.wait_dma2 semaphore(%arg10 : memref<!tpu.dma_semaphore, #tpu.memory_space<semaphore_mem>>) src(%dma_wait3A_32 : memref<32x512xf32, #tpu.memory_space<hbm>>) dst(%arg5 : memref<32x512xf32, #tpu.memory_space<vmem>>)
    } else {
    }
    %scan3A = arith.constant 0 : i32
    %scan3A_8 = arith.constant 80 : i32
    %scan3A_9 = arith.addi %scan3A, %scan3A_8 : i32
    %scan3A_10 = arith.constant 1 : i32
    scf.for %scan3A_25 = %scan3A to %scan3A_9 step %scan3A_10  : i32 {
      %mul3A_26 = arith.constant 2 : i32
      %mul3A_27 = arith.muli %mul3A_26, %scan3A_25 : i32
      %mul3A_28 = arith.constant 2 : i32
      %mul3A_29 = arith.muli %mul3A_28, %scan3A_25 : i32
      %add3A_30 = arith.constant 1 : i32
      %add3A_31 = arith.addi %mul3A_29, %add3A_30 : i32
      %add3A_32 = arith.addi %mul3A_2, %mul3A_27 : i32
      %lt3A = arith.cmpi slt, %add3A_32, %min3A_5 : i32
      %convert_element_type3A_33 = arith.extui %lt3A : i1 to i32
      %cond3A_34 = arith.constant 0 : i32
      %cond3A_35 = arith.cmpi ne, %convert_element_type3A_33, %cond3A_34 : i32
      scf.if %cond3A_35 {
        %gt3A_41 = arith.constant 0 : i32
        %gt3A_42 = arith.cmpi sgt, %mul3A_27, %gt3A_41 : i32
        %convert_element_type3A_43 = arith.extui %gt3A_42 : i1 to i32
        %cond3A_44 = arith.constant 0 : i32
        %cond3A_45 = arith.cmpi ne, %convert_element_type3A_43, %cond3A_44 : i32
        scf.if %cond3A_45 {
          %dma_wait3A = arith.constant 0 : i32
          %dma_wait3A_67 = arith.constant 0 : i32
          %dma_wait3A_68 = tpu.memref_slice %arg2[%dma_wait3A, %dma_wait3A_67] : memref<32x2600000xf32, #tpu.memory_space<hbm>> -> memref<32x512xf32, #tpu.memory_space<hbm>>
          %dma_wait3A_69 = arith.constant 0 : i32
          %dma_wait3A_70 = arith.constant 0 : i32
          %dma_wait3A_71 = tpu.memref_slice %arg2[%dma_wait3A_69, %dma_wait3A_70] : memref<32x2600000xf32, #tpu.memory_space<hbm>> -> memref<32x512xf32, #tpu.memory_space<hbm>>
          tpu.wait_dma2 semaphore(%arg10 : memref<!tpu.dma_semaphore, #tpu.memory_space<semaphore_mem>>) src(%dma_wait3A_71 : memref<32x512xf32, #tpu.memory_space<hbm>>) dst(%arg5 : memref<32x512xf32, #tpu.memory_space<vmem>>)
        } else {
        }
        %add3A_46 = arith.constant 1 : i32
        %add3A_47 = arith.addi %add3A_32, %add3A_46 : i32
        %lt3A_48 = arith.cmpi slt, %add3A_47, %min3A_5 : i32
        %convert_element_type3A_49 = arith.extui %lt3A_48 : i1 to i32
        %cond3A_50 = arith.constant 0 : i32
        %cond3A_51 = arith.cmpi ne, %convert_element_type3A_49, %cond3A_50 : i32
        scf.if %cond3A_51 {
          %add3A_67 = arith.constant 1 : i32
          %add3A_68 = arith.addi %add3A_32, %add3A_67 : i32
          %mul3A_69 = arith.constant 512 : i32
          %mul3A_70 = arith.muli %add3A_68, %mul3A_69 : i32
          %dma_start3A_71 = arith.constant 0 : i32
          %dma_start3A_72 = tpu.memref_slice %arg2[%dma_start3A_71, %mul3A_70] : memref<32x2600000xf32, #tpu.memory_space<hbm>> -> memref<32x512xf32, #tpu.memory_space<hbm>>
          %dma_start3A_73 = arith.constant 0 : i32
          %dma_start3A_74 = tpu.memref_slice %arg2[%dma_start3A_73, %mul3A_70] : memref<32x2600000xf32, #tpu.memory_space<hbm>> -> memref<32x512xf32, #tpu.memory_space<hbm>>
          tpu.enqueue_dma source(%dma_start3A_74 : memref<32x512xf32, #tpu.memory_space<hbm>>) target(%arg6 : memref<32x512xf32, #tpu.memory_space<vmem>>) target_semaphore(%arg11 : memref<!tpu.dma_semaphore, #tpu.memory_space<semaphore_mem>>)
        } else {
        }
        %scan3A_52 = arith.constant 0 : i32
        %scan3A_53 = arith.constant 32 : i32
        %scan3A_54 = arith.addi %scan3A_52, %scan3A_53 : i32
        %scan3A_55 = arith.constant 1 : i32
        scf.for %scan3A_67 = %scan3A_52 to %scan3A_54 step %scan3A_55  : i32 {
          %add3A_68 = vector.broadcast %scan3A_67 : i32 to vector<16xi32>
          %add3A_69 = arith.addi %add3A_68, %iota3A : vector<16xi32>
          %rem3A = arith.constant 32 : i32
          %rem3A_70 = vector.broadcast %rem3A : i32 to vector<16xi32>
          %rem3A_71 = arith.remsi %add3A_69, %rem3A_70 : vector<16xi32>
          %mul3A_72 = arith.constant 32 : i32
          %mul3A_73 = vector.broadcast %mul3A_72 : i32 to vector<16xi32>
          %mul3A_74 = arith.muli %iota3A, %mul3A_73 : vector<16xi32>
          %add3A_75 = arith.addi %mul3A_74, %rem3A_71 : vector<16xi32>
          %parallel_loop3A = arith.constant 0 : i32
          %parallel_loop3A_76 = arith.constant 32 : i32
          %parallel_loop3A_77 = arith.constant 1 : i32
          scf.for %parallel_loop3A_78 = %parallel_loop3A to %parallel_loop3A_76 step %parallel_loop3A_77  : i32 {
            %parallel_loop3A_79 = arith.constant 16 : i32
            %parallel_loop3A_80 = arith.muli %parallel_loop3A_78, %parallel_loop3A_79 : i32
            %parallel_loop3A_81 = vector.broadcast %parallel_loop3A_80 : i32 to vector<16xi32>
            %parallel_loop3A_82 = arith.addi %iota3A, %parallel_loop3A_81 : vector<16xi32>
            %parallel_loop3A_83 = tpu.vector_load_idx %arg5[%rem3A_71, %parallel_loop3A_82] : memref<32x512xf32, #tpu.memory_space<vmem>>[vector<16xi32>, vector<16xi32>], vector<16xf32>,
            %parallel_loop3A_84 = arith.constant 16 : i32
            %parallel_loop3A_85 = arith.muli %parallel_loop3A_78, %parallel_loop3A_84 : i32
            %parallel_loop3A_86 = arith.constant 32 : i32
            %parallel_loop3A_87 = arith.muli %parallel_loop3A_85, %parallel_loop3A_86 : i32
            %parallel_loop3A_88 = vector.broadcast %parallel_loop3A_87 : i32 to vector<16xi32>
            %parallel_loop3A_89 = arith.addi %add3A_75, %parallel_loop3A_88 : vector<16xi32>
            tpu.vector_store_idx %arg7[%parallel_loop3A_89], %parallel_loop3A_83 : memref<16384xf32, #tpu.memory_space<vmem>>[vector<16xi32>], vector<16xf32>,
          } {sc.loop_unroll_factor = 8 : i64, sc.parallel_access}
        }
        %scan3A_56 = arith.constant 32 : i32
        %ge3A_57 = arith.constant 2 : i32
        %ge3A_58 = arith.cmpi sge, %mul3A_27, %ge3A_57 : i32
        %convert_element_type3A_59 = arith.extui %ge3A_58 : i1 to i32
        %cond3A_60 = arith.constant 0 : i32
        %cond3A_61 = arith.cmpi ne, %convert_element_type3A_59, %cond3A_60 : i32
        scf.if %cond3A_61 {
          %dma_wait3A = arith.constant 0 : i32
          %dma_wait3A_67 = tpu.memref_slice %arg4[%dma_wait3A] : memref<83200000xf32, #tpu.memory_space<hbm>> -> memref<16384xf32, #tpu.memory_space<hbm>>
          %dma_wait3A_68 = arith.constant 0 : i32
          %dma_wait3A_69 = tpu.memref_slice %arg4[%dma_wait3A_68] : memref<83200000xf32, #tpu.memory_space<hbm>> -> memref<16384xf32, #tpu.memory_space<hbm>>
          tpu.wait_dma2 semaphore(%arg12 : memref<!tpu.dma_semaphore, #tpu.memory_space<semaphore_mem>>) src(%arg7 : memref<16384xf32, #tpu.memory_space<vmem>>) dst(%dma_wait3A_69 : memref<16384xf32, #tpu.memory_space<hbm>>)
        } else {
        }
        %mul3A_62 = arith.constant 512 : i32
        %mul3A_63 = arith.muli %add3A_32, %mul3A_62 : i32
        %mul3A_64 = arith.constant 32 : i32
        %mul3A_65 = arith.muli %mul3A_63, %mul3A_64 : i32
        %dma_start3A = tpu.memref_slice %arg4[%mul3A_65] : memref<83200000xf32, #tpu.memory_space<hbm>> -> memref<16384xf32, #tpu.memory_space<hbm>>
        %dma_start3A_66 = tpu.memref_slice %arg4[%mul3A_65] : memref<83200000xf32, #tpu.memory_space<hbm>> -> memref<16384xf32, #tpu.memory_space<hbm>>
        tpu.enqueue_dma source(%arg7 : memref<16384xf32, #tpu.memory_space<vmem>>) target(%dma_start3A_66 : memref<16384xf32, #tpu.memory_space<hbm>>) target_semaphore(%arg12 : memref<!tpu.dma_semaphore, #tpu.memory_space<semaphore_mem>>)
      } else {
      }
      %add3A_36 = arith.addi %mul3A_2, %add3A_31 : i32
      %lt3A_37 = arith.cmpi slt, %add3A_36, %min3A_5 : i32
      %convert_element_type3A_38 = arith.extui %lt3A_37 : i1 to i32
      %cond3A_39 = arith.constant 0 : i32
      %cond3A_40 = arith.cmpi ne, %convert_element_type3A_38, %cond3A_39 : i32
      scf.if %cond3A_40 {
        %gt3A_41 = arith.constant 0 : i32
        %gt3A_42 = arith.cmpi sgt, %add3A_31, %gt3A_41 : i32
        %convert_element_type3A_43 = arith.extui %gt3A_42 : i1 to i32
        %cond3A_44 = arith.constant 0 : i32
        %cond3A_45 = arith.cmpi ne, %convert_element_type3A_43, %cond3A_44 : i32
        scf.if %cond3A_45 {
          %dma_wait3A = arith.constant 0 : i32
          %dma_wait3A_67 = arith.constant 0 : i32
          %dma_wait3A_68 = tpu.memref_slice %arg2[%dma_wait3A, %dma_wait3A_67] : memref<32x2600000xf32, #tpu.memory_space<hbm>> -> memref<32x512xf32, #tpu.memory_space<hbm>>
          %dma_wait3A_69 = arith.constant 0 : i32
          %dma_wait3A_70 = arith.constant 0 : i32
          %dma_wait3A_71 = tpu.memref_slice %arg2[%dma_wait3A_69, %dma_wait3A_70] : memref<32x2600000xf32, #tpu.memory_space<hbm>> -> memref<32x512xf32, #tpu.memory_space<hbm>>
          tpu.wait_dma2 semaphore(%arg11 : memref<!tpu.dma_semaphore, #tpu.memory_space<semaphore_mem>>) src(%dma_wait3A_71 : memref<32x512xf32, #tpu.memory_space<hbm>>) dst(%arg6 : memref<32x512xf32, #tpu.memory_space<vmem>>)
        } else {
        }
        %add3A_46 = arith.constant 1 : i32
        %add3A_47 = arith.addi %add3A_36, %add3A_46 : i32
        %lt3A_48 = arith.cmpi slt, %add3A_47, %min3A_5 : i32
        %convert_element_type3A_49 = arith.extui %lt3A_48 : i1 to i32
        %cond3A_50 = arith.constant 0 : i32
        %cond3A_51 = arith.cmpi ne, %convert_element_type3A_49, %cond3A_50 : i32
        scf.if %cond3A_51 {
          %add3A_67 = arith.constant 1 : i32
          %add3A_68 = arith.addi %add3A_36, %add3A_67 : i32
          %mul3A_69 = arith.constant 512 : i32
          %mul3A_70 = arith.muli %add3A_68, %mul3A_69 : i32
          %dma_start3A_71 = arith.constant 0 : i32
          %dma_start3A_72 = tpu.memref_slice %arg2[%dma_start3A_71, %mul3A_70] : memref<32x2600000xf32, #tpu.memory_space<hbm>> -> memref<32x512xf32, #tpu.memory_space<hbm>>
          %dma_start3A_73 = arith.constant 0 : i32
          %dma_start3A_74 = tpu.memref_slice %arg2[%dma_start3A_73, %mul3A_70] : memref<32x2600000xf32, #tpu.memory_space<hbm>> -> memref<32x512xf32, #tpu.memory_space<hbm>>
          tpu.enqueue_dma source(%dma_start3A_74 : memref<32x512xf32, #tpu.memory_space<hbm>>) target(%arg5 : memref<32x512xf32, #tpu.memory_space<vmem>>) target_semaphore(%arg10 : memref<!tpu.dma_semaphore, #tpu.memory_space<semaphore_mem>>)
        } else {
        }
        %scan3A_52 = arith.constant 0 : i32
        %scan3A_53 = arith.constant 32 : i32
        %scan3A_54 = arith.addi %scan3A_52, %scan3A_53 : i32
        %scan3A_55 = arith.constant 1 : i32
        scf.for %scan3A_67 = %scan3A_52 to %scan3A_54 step %scan3A_55  : i32 {
          %add3A_68 = vector.broadcast %scan3A_67 : i32 to vector<16xi32>
          %add3A_69 = arith.addi %add3A_68, %iota3A : vector<16xi32>
          %rem3A = arith.constant 32 : i32
          %rem3A_70 = vector.broadcast %rem3A : i32 to vector<16xi32>
          %rem3A_71 = arith.remsi %add3A_69, %rem3A_70 : vector<16xi32>
          %mul3A_72 = arith.constant 32 : i32
          %mul3A_73 = vector.broadcast %mul3A_72 : i32 to vector<16xi32>
          %mul3A_74 = arith.muli %iota3A, %mul3A_73 : vector<16xi32>
          %add3A_75 = arith.addi %mul3A_74, %rem3A_71 : vector<16xi32>
          %parallel_loop3A = arith.constant 0 : i32
          %parallel_loop3A_76 = arith.constant 32 : i32
          %parallel_loop3A_77 = arith.constant 1 : i32
          scf.for %parallel_loop3A_78 = %parallel_loop3A to %parallel_loop3A_76 step %parallel_loop3A_77  : i32 {
            %parallel_loop3A_79 = arith.constant 16 : i32
            %parallel_loop3A_80 = arith.muli %parallel_loop3A_78, %parallel_loop3A_79 : i32
            %parallel_loop3A_81 = vector.broadcast %parallel_loop3A_80 : i32 to vector<16xi32>
            %parallel_loop3A_82 = arith.addi %iota3A, %parallel_loop3A_81 : vector<16xi32>
            %parallel_loop3A_83 = tpu.vector_load_idx %arg6[%rem3A_71, %parallel_loop3A_82] : memref<32x512xf32, #tpu.memory_space<vmem>>[vector<16xi32>, vector<16xi32>], vector<16xf32>,
            %parallel_loop3A_84 = arith.constant 16 : i32
            %parallel_loop3A_85 = arith.muli %parallel_loop3A_78, %parallel_loop3A_84 : i32
            %parallel_loop3A_86 = arith.constant 32 : i32
            %parallel_loop3A_87 = arith.muli %parallel_loop3A_85, %parallel_loop3A_86 : i32
            %parallel_loop3A_88 = vector.broadcast %parallel_loop3A_87 : i32 to vector<16xi32>
            %parallel_loop3A_89 = arith.addi %add3A_75, %parallel_loop3A_88 : vector<16xi32>
            tpu.vector_store_idx %arg8[%parallel_loop3A_89], %parallel_loop3A_83 : memref<16384xf32, #tpu.memory_space<vmem>>[vector<16xi32>], vector<16xf32>,
          } {sc.loop_unroll_factor = 8 : i64, sc.parallel_access}
        }
        %scan3A_56 = arith.constant 32 : i32
        %ge3A_57 = arith.constant 2 : i32
        %ge3A_58 = arith.cmpi sge, %add3A_31, %ge3A_57 : i32
        %convert_element_type3A_59 = arith.extui %ge3A_58 : i1 to i32
        %cond3A_60 = arith.constant 0 : i32
        %cond3A_61 = arith.cmpi ne, %convert_element_type3A_59, %cond3A_60 : i32
        scf.if %cond3A_61 {
          %dma_wait3A = arith.constant 0 : i32
          %dma_wait3A_67 = tpu.memref_slice %arg4[%dma_wait3A] : memref<83200000xf32, #tpu.memory_space<hbm>> -> memref<16384xf32, #tpu.memory_space<hbm>>
          %dma_wait3A_68 = arith.constant 0 : i32
          %dma_wait3A_69 = tpu.memref_slice %arg4[%dma_wait3A_68] : memref<83200000xf32, #tpu.memory_space<hbm>> -> memref<16384xf32, #tpu.memory_space<hbm>>
          tpu.wait_dma2 semaphore(%arg13 : memref<!tpu.dma_semaphore, #tpu.memory_space<semaphore_mem>>) src(%arg8 : memref<16384xf32, #tpu.memory_space<vmem>>) dst(%dma_wait3A_69 : memref<16384xf32, #tpu.memory_space<hbm>>)
        } else {
        }
        %mul3A_62 = arith.constant 512 : i32
        %mul3A_63 = arith.muli %add3A_36, %mul3A_62 : i32
        %mul3A_64 = arith.constant 32 : i32
        %mul3A_65 = arith.muli %mul3A_63, %mul3A_64 : i32
        %dma_start3A = tpu.memref_slice %arg4[%mul3A_65] : memref<83200000xf32, #tpu.memory_space<hbm>> -> memref<16384xf32, #tpu.memory_space<hbm>>
        %dma_start3A_66 = tpu.memref_slice %arg4[%mul3A_65] : memref<83200000xf32, #tpu.memory_space<hbm>> -> memref<16384xf32, #tpu.memory_space<hbm>>
        tpu.enqueue_dma source(%arg8 : memref<16384xf32, #tpu.memory_space<vmem>>) target(%dma_start3A_66 : memref<16384xf32, #tpu.memory_space<hbm>>) target_semaphore(%arg13 : memref<!tpu.dma_semaphore, #tpu.memory_space<semaphore_mem>>)
      } else {
      }
    }
    %scan3A_11 = arith.constant 80 : i32
    %ge3A = arith.constant 1 : i32
    %ge3A_12 = arith.cmpi sge, %sub3A, %ge3A : i32
    %convert_element_type3A_13 = arith.extui %ge3A_12 : i1 to i32
    %cond3A_14 = arith.constant 0 : i32
    %cond3A_15 = arith.cmpi ne, %convert_element_type3A_13, %cond3A_14 : i32
    scf.if %cond3A_15 {
      %dma_wait3A = arith.constant 0 : i32
      %dma_wait3A_25 = tpu.memref_slice %arg4[%dma_wait3A] : memref<83200000xf32, #tpu.memory_space<hbm>> -> memref<16384xf32, #tpu.memory_space<hbm>>
      %dma_wait3A_26 = arith.constant 0 : i32
      %dma_wait3A_27 = tpu.memref_slice %arg4[%dma_wait3A_26] : memref<83200000xf32, #tpu.memory_space<hbm>> -> memref<16384xf32, #tpu.memory_space<hbm>>
      tpu.wait_dma2 semaphore(%arg12 : memref<!tpu.dma_semaphore, #tpu.memory_space<semaphore_mem>>) src(%arg7 : memref<16384xf32, #tpu.memory_space<vmem>>) dst(%dma_wait3A_27 : memref<16384xf32, #tpu.memory_space<hbm>>)
    } else {
    }
    %ge3A_16 = arith.constant 2 : i32
    %ge3A_17 = arith.cmpi sge, %sub3A, %ge3A_16 : i32
    %convert_element_type3A_18 = arith.extui %ge3A_17 : i1 to i32
    %cond3A_19 = arith.constant 0 : i32
    %cond3A_20 = arith.cmpi ne, %convert_element_type3A_18, %cond3A_19 : i32
    scf.if %cond3A_20 {
      %dma_wait3A = arith.constant 0 : i32
      %dma_wait3A_25 = tpu.memref_slice %arg4[%dma_wait3A] : memref<83200000xf32, #tpu.memory_space<hbm>> -> memref<16384xf32, #tpu.memory_space<hbm>>
      %dma_wait3A_26 = arith.constant 0 : i32
      %dma_wait3A_27 = tpu.memref_slice %arg4[%dma_wait3A_26] : memref<83200000xf32, #tpu.memory_space<hbm>> -> memref<16384xf32, #tpu.memory_space<hbm>>
      tpu.wait_dma2 semaphore(%arg13 : memref<!tpu.dma_semaphore, #tpu.memory_space<semaphore_mem>>) src(%arg8 : memref<16384xf32, #tpu.memory_space<vmem>>) dst(%dma_wait3A_27 : memref<16384xf32, #tpu.memory_space<hbm>>)
    } else {
    }
    %eq3A = arith.constant 31 : i32
    %eq3A_21 = arith.cmpi eq, %add3A, %eq3A : i32
    %convert_element_type3A_22 = arith.extui %eq3A_21 : i1 to i32
    %cond3A_23 = arith.constant 0 : i32
    %cond3A_24 = arith.cmpi ne, %convert_element_type3A_22, %cond3A_23 : i32
    scf.if %cond3A_24 {
      "tpu.region"() ({
        %run_scoped3A = tpu.sem_alloc : memref<!tpu.dma_semaphore, #tpu.memory_space<semaphore_mem>>
        tpu.enqueue_dma source(%arg3 : memref<64x128xf32, #tpu.memory_space<hbm>>) target(%arg9 : memref<64x128xf32, #tpu.memory_space<vmem>>) target_semaphore(%run_scoped3A : memref<!tpu.dma_semaphore, #tpu.memory_space<semaphore_mem>>)
        tpu.wait_dma2 semaphore(%run_scoped3A : memref<!tpu.dma_semaphore, #tpu.memory_space<semaphore_mem>>) src(%arg3 : memref<64x128xf32, #tpu.memory_space<hbm>>) dst(%arg9 : memref<64x128xf32, #tpu.memory_space<vmem>>)
        tpu.yield
      }) : () -> ()
      %scan3A_25 = arith.constant 0 : i32
      %scan3A_26 = arith.constant 64 : i32
      %scan3A_27 = arith.addi %scan3A_25, %scan3A_26 : i32
      %scan3A_28 = arith.constant 4 : i32
      scf.for %scan3A_30 = %scan3A_25 to %scan3A_27 step %scan3A_28  : i32 {
        %get3A = arith.index_cast %scan3A_30 : i32 to index
        %get3A_31 = arith.constant 0 : index
        %get3A_32 = tpu.vector_load %arg9[%get3A, %get3A_31] {strides = array<i32>} : memref<64x128xf32, #tpu.memory_space<vmem>>, vector<16xf32>,
        %mul3A_33 = arith.constant 32 : i32
        %mul3A_34 = arith.muli %scan3A_30, %mul3A_33 : i32
        %add3A_35 = arith.constant 0 : i32
        %add3A_36 = arith.addi %mul3A_34, %add3A_35 : i32
        %swap3A = arith.index_cast %add3A_36 : i32 to index
        %swap3A_37 = tpu.vector_load %arg7[%swap3A] {strides = array<i32>} : memref<16384xf32, #tpu.memory_space<vmem>>, vector<16xf32>,
        tpu.vector_store %arg7[%swap3A], %get3A_32 {strides = array<i32>} : memref<16384xf32, #tpu.memory_space<vmem>>, vector<16xf32>,
        %get3A_38 = arith.index_cast %scan3A_30 : i32 to index
        %get3A_39 = arith.constant 16 : index
        %get3A_40 = tpu.vector_load %arg9[%get3A_38, %get3A_39] {strides = array<i32>} : memref<64x128xf32, #tpu.memory_space<vmem>>, vector<16xf32>,
        %mul3A_41 = arith.constant 32 : i32
        %mul3A_42 = arith.muli %scan3A_30, %mul3A_41 : i32
        %add3A_43 = arith.constant 16 : i32
        %add3A_44 = arith.addi %mul3A_42, %add3A_43 : i32
        %swap3A_45 = arith.index_cast %add3A_44 : i32 to index
        %swap3A_46 = tpu.vector_load %arg7[%swap3A_45] {strides = array<i32>} : memref<16384xf32, #tpu.memory_space<vmem>>, vector<16xf32>,
        tpu.vector_store %arg7[%swap3A_45], %get3A_40 {strides = array<i32>} : memref<16384xf32, #tpu.memory_space<vmem>>, vector<16xf32>,
        %scan3A_47 = arith.constant 1 : i32
        %scan3A_48 = arith.addi %scan3A_30, %scan3A_47 : i32
        %get3A_49 = arith.index_cast %scan3A_48 : i32 to index
        %get3A_50 = arith.constant 0 : index
        %get3A_51 = tpu.vector_load %arg9[%get3A_49, %get3A_50] {strides = array<i32>} : memref<64x128xf32, #tpu.memory_space<vmem>>, vector<16xf32>,
        %mul3A_52 = arith.constant 32 : i32
        %mul3A_53 = arith.muli %scan3A_48, %mul3A_52 : i32
        %add3A_54 = arith.constant 0 : i32
        %add3A_55 = arith.addi %mul3A_53, %add3A_54 : i32
        %swap3A_56 = arith.index_cast %add3A_55 : i32 to index
        %swap3A_57 = tpu.vector_load %arg7[%swap3A_56] {strides = array<i32>} : memref<16384xf32, #tpu.memory_space<vmem>>, vector<16xf32>,
        tpu.vector_store %arg7[%swap3A_56], %get3A_51 {strides = array<i32>} : memref<16384xf32, #tpu.memory_space<vmem>>, vector<16xf32>,
        %get3A_58 = arith.index_cast %scan3A_48 : i32 to index
        %get3A_59 = arith.constant 16 : index
        %get3A_60 = tpu.vector_load %arg9[%get3A_58, %get3A_59] {strides = array<i32>} : memref<64x128xf32, #tpu.memory_space<vmem>>, vector<16xf32>,
        %mul3A_61 = arith.constant 32 : i32
        %mul3A_62 = arith.muli %scan3A_48, %mul3A_61 : i32
        %add3A_63 = arith.constant 16 : i32
        %add3A_64 = arith.addi %mul3A_62, %add3A_63 : i32
        %swap3A_65 = arith.index_cast %add3A_64 : i32 to index
        %swap3A_66 = tpu.vector_load %arg7[%swap3A_65] {strides = array<i32>} : memref<16384xf32, #tpu.memory_space<vmem>>, vector<16xf32>,
        tpu.vector_store %arg7[%swap3A_65], %get3A_60 {strides = array<i32>} : memref<16384xf32, #tpu.memory_space<vmem>>, vector<16xf32>,
        %scan3A_67 = arith.constant 2 : i32
        %scan3A_68 = arith.addi %scan3A_30, %scan3A_67 : i32
        %get3A_69 = arith.index_cast %scan3A_68 : i32 to index
        %get3A_70 = arith.constant 0 : index
        %get3A_71 = tpu.vector_load %arg9[%get3A_69, %get3A_70] {strides = array<i32>} : memref<64x128xf32, #tpu.memory_space<vmem>>, vector<16xf32>,
        %mul3A_72 = arith.constant 32 : i32
        %mul3A_73 = arith.muli %scan3A_68, %mul3A_72 : i32
        %add3A_74 = arith.constant 0 : i32
        %add3A_75 = arith.addi %mul3A_73, %add3A_74 : i32
        %swap3A_76 = arith.index_cast %add3A_75 : i32 to index
        %swap3A_77 = tpu.vector_load %arg7[%swap3A_76] {strides = array<i32>} : memref<16384xf32, #tpu.memory_space<vmem>>, vector<16xf32>,
        tpu.vector_store %arg7[%swap3A_76], %get3A_71 {strides = array<i32>} : memref<16384xf32, #tpu.memory_space<vmem>>, vector<16xf32>,
        %get3A_78 = arith.index_cast %scan3A_68 : i32 to index
        %get3A_79 = arith.constant 16 : index
        %get3A_80 = tpu.vector_load %arg9[%get3A_78, %get3A_79] {strides = array<i32>} : memref<64x128xf32, #tpu.memory_space<vmem>>, vector<16xf32>,
        %mul3A_81 = arith.constant 32 : i32
        %mul3A_82 = arith.muli %scan3A_68, %mul3A_81 : i32
        %add3A_83 = arith.constant 16 : i32
        %add3A_84 = arith.addi %mul3A_82, %add3A_83 : i32
        %swap3A_85 = arith.index_cast %add3A_84 : i32 to index
        %swap3A_86 = tpu.vector_load %arg7[%swap3A_85] {strides = array<i32>} : memref<16384xf32, #tpu.memory_space<vmem>>, vector<16xf32>,
        tpu.vector_store %arg7[%swap3A_85], %get3A_80 {strides = array<i32>} : memref<16384xf32, #tpu.memory_space<vmem>>, vector<16xf32>,
        %scan3A_87 = arith.constant 3 : i32
        %scan3A_88 = arith.addi %scan3A_30, %scan3A_87 : i32
        %get3A_89 = arith.index_cast %scan3A_88 : i32 to index
        %get3A_90 = arith.constant 0 : index
        %get3A_91 = tpu.vector_load %arg9[%get3A_89, %get3A_90] {strides = array<i32>} : memref<64x128xf32, #tpu.memory_space<vmem>>, vector<16xf32>,
        %mul3A_92 = arith.constant 32 : i32
        %mul3A_93 = arith.muli %scan3A_88, %mul3A_92 : i32
        %add3A_94 = arith.constant 0 : i32
        %add3A_95 = arith.addi %mul3A_93, %add3A_94 : i32
        %swap3A_96 = arith.index_cast %add3A_95 : i32 to index
        %swap3A_97 = tpu.vector_load %arg7[%swap3A_96] {strides = array<i32>} : memref<16384xf32, #tpu.memory_space<vmem>>, vector<16xf32>,
        tpu.vector_store %arg7[%swap3A_96], %get3A_91 {strides = array<i32>} : memref<16384xf32, #tpu.memory_space<vmem>>, vector<16xf32>,
        %get3A_98 = arith.index_cast %scan3A_88 : i32 to index
        %get3A_99 = arith.constant 16 : index
        %get3A_100 = tpu.vector_load %arg9[%get3A_98, %get3A_99] {strides = array<i32>} : memref<64x128xf32, #tpu.memory_space<vmem>>, vector<16xf32>,
        %mul3A_101 = arith.constant 32 : i32
        %mul3A_102 = arith.muli %scan3A_88, %mul3A_101 : i32
        %add3A_103 = arith.constant 16 : i32
        %add3A_104 = arith.addi %mul3A_102, %add3A_103 : i32
        %swap3A_105 = arith.index_cast %add3A_104 : i32 to index
        %swap3A_106 = tpu.vector_load %arg7[%swap3A_105] {strides = array<i32>} : memref<16384xf32, #tpu.memory_space<vmem>>, vector<16xf32>,
        tpu.vector_store %arg7[%swap3A_105], %get3A_100 {strides = array<i32>} : memref<16384xf32, #tpu.memory_space<vmem>>, vector<16xf32>,
      }
      %scan3A_29 = arith.constant 64 : i32
      "tpu.region"() ({
        %run_scoped3A = tpu.sem_alloc : memref<!tpu.dma_semaphore, #tpu.memory_space<semaphore_mem>>
        %dma_start3A = arith.constant 0 : i32
        %dma_start3A_30 = tpu.memref_slice %arg7[%dma_start3A] : memref<16384xf32, #tpu.memory_space<vmem>> -> memref<2048xf32, #tpu.memory_space<vmem>>
        %dma_start3A_31 = arith.constant 83197952 : i32
        %dma_start3A_32 = tpu.memref_slice %arg4[%dma_start3A_31] : memref<83200000xf32, #tpu.memory_space<hbm>> -> memref<2048xf32, #tpu.memory_space<hbm>>
        %dma_start3A_33 = arith.constant 83197952 : i32
        %dma_start3A_34 = tpu.memref_slice %arg4[%dma_start3A_33] : memref<83200000xf32, #tpu.memory_space<hbm>> -> memref<2048xf32, #tpu.memory_space<hbm>>
        %dma_start3A_35 = arith.constant 0 : i32
        %dma_start3A_36 = tpu.memref_slice %arg7[%dma_start3A_35] : memref<16384xf32, #tpu.memory_space<vmem>> -> memref<2048xf32, #tpu.memory_space<vmem>>
        tpu.enqueue_dma source(%dma_start3A_36 : memref<2048xf32, #tpu.memory_space<vmem>>) target(%dma_start3A_34 : memref<2048xf32, #tpu.memory_space<hbm>>) target_semaphore(%run_scoped3A : memref<!tpu.dma_semaphore, #tpu.memory_space<semaphore_mem>>)
        %dma_wait3A = arith.constant 0 : i32
        %dma_wait3A_37 = tpu.memref_slice %arg7[%dma_wait3A] : memref<16384xf32, #tpu.memory_space<vmem>> -> memref<2048xf32, #tpu.memory_space<vmem>>
        %dma_wait3A_38 = arith.constant 83197952 : i32
        %dma_wait3A_39 = tpu.memref_slice %arg4[%dma_wait3A_38] : memref<83200000xf32, #tpu.memory_space<hbm>> -> memref<2048xf32, #tpu.memory_space<hbm>>
        %dma_wait3A_40 = arith.constant 83197952 : i32
        %dma_wait3A_41 = tpu.memref_slice %arg4[%dma_wait3A_40] : memref<83200000xf32, #tpu.memory_space<hbm>> -> memref<2048xf32, #tpu.memory_space<hbm>>
        %dma_wait3A_42 = arith.constant 0 : i32
        %dma_wait3A_43 = tpu.memref_slice %arg7[%dma_wait3A_42] : memref<16384xf32, #tpu.memory_space<vmem>> -> memref<2048xf32, #tpu.memory_space<vmem>>
        tpu.wait_dma2 semaphore(%run_scoped3A : memref<!tpu.dma_semaphore, #tpu.memory_space<semaphore_mem>>) src(%dma_wait3A_43 : memref<2048xf32, #tpu.memory_space<vmem>>) dst(%dma_wait3A_41 : memref<2048xf32, #tpu.memory_space<hbm>>)
        tpu.yield
      }) : () -> ()
    } else {
    }
    return
  }
}

#map = affine_map<(d0, d1) -> (0)>
#map1 = affine_map<(d0, d1) -> (0, 0)>
module attributes {stable_mosaic.version = 14 : i64} {
  func.func @_lookup_body(%arg0: i32, %arg1: i32, %arg2: memref<425984xi32, #tpu.memory_space<hbm>>, %arg3: memref<416xi32, #tpu.memory_space<hbm>>, %arg4: memref<2600000x32xf32, #tpu.memory_space<hbm>>, %arg5: memref<832xf32, #tpu.memory_space<hbm>>, %arg6: memref<13631488xf32, #tpu.memory_space<hbm>>, %arg7: memref<1024xi32, #tpu.memory_space<vmem>>, %arg8: memref<8x128xi32, #tpu.memory_space<vmem>>, %arg9: memref<1024x32xf32, #tpu.memory_space<vmem>>, %arg10: memref<32768xf32, #tpu.memory_space<vmem>>, %arg11: memref<416xi32, #tpu.memory_space<vmem>>, %arg12: memref<896xf32, #tpu.memory_space<vmem>>, %arg13: memref<!tpu.dma_semaphore, #tpu.memory_space<semaphore_mem>>) attributes {dimension_semantics = [#tpu.dimension_semantics<core_parallel>, #tpu.dimension_semantics<subcore_parallel>], iteration_bounds = array<i64: 2, 16>, scalar_prefetch = 0 : i64, scratch_operands = 7 : i64, tpu.core_type = #tpu.core_type<sc_vector_subcore>, window_params = [{transform_indices = #map}, {transform_indices = #map}, {transform_indices = #map1}, {transform_indices = #map}, {transform_indices = #map}]} {
    %iota3A = tpu.iota {dimensions = array<i32: 0>} : vector<16xi32>
    "tpu.region"() ({
      %run_scoped3A = tpu.sem_alloc : memref<!tpu.dma_semaphore, #tpu.memory_space<semaphore_mem>>
      tpu.enqueue_dma source(%arg3 : memref<416xi32, #tpu.memory_space<hbm>>) target(%arg11 : memref<416xi32, #tpu.memory_space<vmem>>) target_semaphore(%run_scoped3A : memref<!tpu.dma_semaphore, #tpu.memory_space<semaphore_mem>>)
      tpu.wait_dma2 semaphore(%run_scoped3A : memref<!tpu.dma_semaphore, #tpu.memory_space<semaphore_mem>>) src(%arg3 : memref<416xi32, #tpu.memory_space<hbm>>) dst(%arg11 : memref<416xi32, #tpu.memory_space<vmem>>)
      tpu.yield
    }) : () -> ()
    "tpu.region"() ({
      %run_scoped3A = tpu.sem_alloc : memref<!tpu.dma_semaphore, #tpu.memory_space<semaphore_mem>>
      %dma_start3A = arith.constant 0 : i32
      %dma_start3A_6 = tpu.memref_slice %arg12[%dma_start3A] : memref<896xf32, #tpu.memory_space<vmem>> -> memref<832xf32, #tpu.memory_space<vmem>>
      %dma_start3A_7 = arith.constant 0 : i32
      %dma_start3A_8 = tpu.memref_slice %arg12[%dma_start3A_7] : memref<896xf32, #tpu.memory_space<vmem>> -> memref<832xf32, #tpu.memory_space<vmem>>
      tpu.enqueue_dma source(%arg5 : memref<832xf32, #tpu.memory_space<hbm>>) target(%dma_start3A_8 : memref<832xf32, #tpu.memory_space<vmem>>) target_semaphore(%run_scoped3A : memref<!tpu.dma_semaphore, #tpu.memory_space<semaphore_mem>>)
      %dma_wait3A = arith.constant 0 : i32
      %dma_wait3A_9 = tpu.memref_slice %arg12[%dma_wait3A] : memref<896xf32, #tpu.memory_space<vmem>> -> memref<832xf32, #tpu.memory_space<vmem>>
      %dma_wait3A_10 = arith.constant 0 : i32
      %dma_wait3A_11 = tpu.memref_slice %arg12[%dma_wait3A_10] : memref<896xf32, #tpu.memory_space<vmem>> -> memref<832xf32, #tpu.memory_space<vmem>>
      tpu.wait_dma2 semaphore(%run_scoped3A : memref<!tpu.dma_semaphore, #tpu.memory_space<semaphore_mem>>) src(%arg5 : memref<832xf32, #tpu.memory_space<hbm>>) dst(%dma_wait3A_11 : memref<832xf32, #tpu.memory_space<vmem>>)
      tpu.yield
    }) : () -> ()
    %mul3A = arith.constant 1024 : i32
    %mul3A_0 = arith.muli %arg1, %mul3A : i32
    %broadcast_in_dim3A = arith.constant 0 : i32
    %broadcast_in_dim3A_1 = vector.broadcast %broadcast_in_dim3A : i32 to vector<16xi32>
    %scan3A = arith.constant 0 : i32
    %scan3A_2 = arith.constant 13 : i32
    %scan3A_3 = arith.addi %scan3A, %scan3A_2 : i32
    %scan3A_4 = arith.constant 1 : i32
    scf.for %scan3A_6 = %scan3A to %scan3A_3 step %scan3A_4  : i32 {
      %mul3A_7 = arith.constant 13 : i32
      %mul3A_8 = arith.muli %arg0, %mul3A_7 : i32
      %add3A = arith.addi %mul3A_8, %scan3A_6 : i32
      %mul3A_9 = arith.constant 16 : i32
      %mul3A_10 = arith.muli %add3A, %mul3A_9 : i32
      %get3A = arith.index_cast %mul3A_10 : i32 to index
      %get3A_11 = tpu.vector_load %arg11[%get3A] {strides = array<i32>} : memref<416xi32, #tpu.memory_space<vmem>>, vector<16xi32>,
      %mul3A_12 = arith.constant 16384 : i32
      %mul3A_13 = arith.muli %add3A, %mul3A_12 : i32
      %add3A_14 = arith.addi %mul3A_13, %mul3A_0 : i32
      "tpu.region"() ({
        %run_scoped3A = tpu.sem_alloc : memref<!tpu.dma_semaphore, #tpu.memory_space<semaphore_mem>>
        %dma_start3A_216 = tpu.memref_slice %arg2[%add3A_14] : memref<425984xi32, #tpu.memory_space<hbm>> -> memref<1024xi32, #tpu.memory_space<hbm>>
        %dma_start3A_217 = tpu.memref_slice %arg2[%add3A_14] : memref<425984xi32, #tpu.memory_space<hbm>> -> memref<1024xi32, #tpu.memory_space<hbm>>
        tpu.enqueue_dma source(%dma_start3A_217 : memref<1024xi32, #tpu.memory_space<hbm>>) target(%arg7 : memref<1024xi32, #tpu.memory_space<vmem>>) target_semaphore(%run_scoped3A : memref<!tpu.dma_semaphore, #tpu.memory_space<semaphore_mem>>)
        %dma_wait3A_218 = tpu.memref_slice %arg2[%add3A_14] : memref<425984xi32, #tpu.memory_space<hbm>> -> memref<1024xi32, #tpu.memory_space<hbm>>
        %dma_wait3A_219 = tpu.memref_slice %arg2[%add3A_14] : memref<425984xi32, #tpu.memory_space<hbm>> -> memref<1024xi32, #tpu.memory_space<hbm>>
        tpu.wait_dma2 semaphore(%run_scoped3A : memref<!tpu.dma_semaphore, #tpu.memory_space<semaphore_mem>>) src(%dma_wait3A_219 : memref<1024xi32, #tpu.memory_space<hbm>>) dst(%arg7 : memref<1024xi32, #tpu.memory_space<vmem>>)
        tpu.yield
      }) : () -> ()
      %parallel_loop3A = arith.constant 0 : i32
      %parallel_loop3A_15 = arith.constant 64 : i32
      %parallel_loop3A_16 = arith.constant 1 : i32
      scf.for %parallel_loop3A_216 = %parallel_loop3A to %parallel_loop3A_15 step %parallel_loop3A_16  : i32 {
        %parallel_loop3A_217 = arith.constant 16 : i32
        %parallel_loop3A_218 = arith.muli %parallel_loop3A_216, %parallel_loop3A_217 : i32
        %parallel_loop3A_219 = arith.index_cast %parallel_loop3A_218 : i32 to index
        %parallel_loop3A_220 = tpu.vector_load %arg7[%parallel_loop3A_219] {strides = array<i32>} : memref<1024xi32, #tpu.memory_space<vmem>>, vector<16xi32>,
        %parallel_loop3A_221 = arith.addi %parallel_loop3A_220, %get3A_11 : vector<16xi32>
        %parallel_loop3A_222 = arith.constant 8 : i32
        %parallel_loop3A_223 = arith.divsi %parallel_loop3A_216, %parallel_loop3A_222 : i32
        %parallel_loop3A_224 = arith.constant 0 : i32
        %parallel_loop3A_225 = arith.cmpi sgt, %parallel_loop3A_216, %parallel_loop3A_224 : i32
        %parallel_loop3A_226 = arith.extui %parallel_loop3A_225 : i1 to i32
        %parallel_loop3A_227 = arith.constant 0 : i32
        %parallel_loop3A_228 = arith.cmpi slt, %parallel_loop3A_216, %parallel_loop3A_227 : i32
        %parallel_loop3A_229 = arith.extui %parallel_loop3A_228 : i1 to i32
        %parallel_loop3A_230 = arith.subi %parallel_loop3A_226, %parallel_loop3A_229 : i32
        %parallel_loop3A_231 = arith.constant 0 : i32
        %parallel_loop3A_232 = arith.cmpi sgt, %parallel_loop3A_222, %parallel_loop3A_231 : i32
        %parallel_loop3A_233 = arith.extui %parallel_loop3A_232 : i1 to i32
        %parallel_loop3A_234 = arith.constant 0 : i32
        %parallel_loop3A_235 = arith.cmpi slt, %parallel_loop3A_222, %parallel_loop3A_234 : i32
        %parallel_loop3A_236 = arith.extui %parallel_loop3A_235 : i1 to i32
        %parallel_loop3A_237 = arith.subi %parallel_loop3A_233, %parallel_loop3A_236 : i32
        %parallel_loop3A_238 = arith.cmpi ne, %parallel_loop3A_230, %parallel_loop3A_237 : i32
        %parallel_loop3A_239 = arith.remsi %parallel_loop3A_216, %parallel_loop3A_222 : i32
        %parallel_loop3A_240 = arith.constant 0 : i32
        %parallel_loop3A_241 = arith.cmpi ne, %parallel_loop3A_239, %parallel_loop3A_240 : i32
        %parallel_loop3A_242 = arith.andi %parallel_loop3A_238, %parallel_loop3A_241 : i1
        %parallel_loop3A_243 = arith.constant 1 : i32
        %parallel_loop3A_244 = arith.subi %parallel_loop3A_223, %parallel_loop3A_243 : i32
        %parallel_loop3A_245 = arith.select %parallel_loop3A_242, %parallel_loop3A_244, %parallel_loop3A_223 : i32
        %parallel_loop3A_246 = arith.constant 8 : i32
        %parallel_loop3A_247 = arith.remsi %parallel_loop3A_216, %parallel_loop3A_246 : i32
        %parallel_loop3A_248 = arith.constant 16 : i32
        %parallel_loop3A_249 = arith.muli %parallel_loop3A_247, %parallel_loop3A_248 : i32
        %parallel_loop3A_250 = arith.index_cast %parallel_loop3A_245 : i32 to index
        %parallel_loop3A_251 = arith.index_cast %parallel_loop3A_249 : i32 to index
        %parallel_loop3A_252 = tpu.vector_load %arg8[%parallel_loop3A_250, %parallel_loop3A_251] {strides = array<i32>} : memref<8x128xi32, #tpu.memory_space<vmem>>, vector<16xi32>,
        tpu.vector_store %arg8[%parallel_loop3A_250, %parallel_loop3A_251], %parallel_loop3A_221 {strides = array<i32>} : memref<8x128xi32, #tpu.memory_space<vmem>>, vector<16xi32>,
      } {sc.loop_unroll_factor = 8 : i64, sc.parallel_access}
      %dma_start3A = arith.constant 0 : i32
      %dma_start3A_17 = arith.constant 0 : i32
      %dma_start3A_18 = arith.constant 0 : i32
      %dma_start3A_19 = tpu.memref_slice %arg9[%dma_start3A_17, %dma_start3A_18] : memref<1024x32xf32, #tpu.memory_space<vmem>> -> memref<128x32xf32, #tpu.memory_space<vmem>>
      %dma_start3A_20 = arith.constant 0 : i32
      %dma_start3A_21 = tpu.memref_slice %arg8[%dma_start3A, %dma_start3A_20] : memref<8x128xi32, #tpu.memory_space<vmem>> -> memref<1x128xi32, #tpu.memory_space<vmem>>
      %dma_start3A_22 = tpu.memref_squeeze %dma_start3A_21 : memref<1x128xi32, #tpu.memory_space<vmem>> -> memref<128xi32, #tpu.memory_space<vmem>>
      %dma_start3A_23 = arith.constant 0 : i32
      %dma_start3A_24 = arith.constant 0 : i32
      %dma_start3A_25 = tpu.memref_slice %arg4[%dma_start3A_23, %dma_start3A_24] : memref<2600000x32xf32, #tpu.memory_space<hbm>> -> memref<2600000x32xf32, #tpu.memory_space<hbm>>
      tpu.enqueue_indirect_dma source(%dma_start3A_25 : memref<2600000x32xf32, #tpu.memory_space<hbm>>) target(%dma_start3A_19 : memref<128x32xf32, #tpu.memory_space<vmem>>) offsets(%dma_start3A_22 : memref<128xi32, #tpu.memory_space<vmem>>) semaphore(%arg13 : memref<!tpu.dma_semaphore, #tpu.memory_space<semaphore_mem>>)
      %dma_start3A_26 = arith.constant 1 : i32
      %dma_start3A_27 = arith.constant 128 : i32
      %dma_start3A_28 = arith.constant 0 : i32
      %dma_start3A_29 = tpu.memref_slice %arg9[%dma_start3A_27, %dma_start3A_28] : memref<1024x32xf32, #tpu.memory_space<vmem>> -> memref<128x32xf32, #tpu.memory_space<vmem>>
      %dma_start3A_30 = arith.constant 0 : i32
      %dma_start3A_31 = tpu.memref_slice %arg8[%dma_start3A_26, %dma_start3A_30] : memref<8x128xi32, #tpu.memory_space<vmem>> -> memref<1x128xi32, #tpu.memory_space<vmem>>
      %dma_start3A_32 = tpu.memref_squeeze %dma_start3A_31 : memref<1x128xi32, #tpu.memory_space<vmem>> -> memref<128xi32, #tpu.memory_space<vmem>>
      %dma_start3A_33 = arith.constant 0 : i32
      %dma_start3A_34 = arith.constant 0 : i32
      %dma_start3A_35 = tpu.memref_slice %arg4[%dma_start3A_33, %dma_start3A_34] : memref<2600000x32xf32, #tpu.memory_space<hbm>> -> memref<2600000x32xf32, #tpu.memory_space<hbm>>
      tpu.enqueue_indirect_dma source(%dma_start3A_35 : memref<2600000x32xf32, #tpu.memory_space<hbm>>) target(%dma_start3A_29 : memref<128x32xf32, #tpu.memory_space<vmem>>) offsets(%dma_start3A_32 : memref<128xi32, #tpu.memory_space<vmem>>) semaphore(%arg13 : memref<!tpu.dma_semaphore, #tpu.memory_space<semaphore_mem>>)
      %dma_start3A_36 = arith.constant 2 : i32
      %dma_start3A_37 = arith.constant 256 : i32
      %dma_start3A_38 = arith.constant 0 : i32
      %dma_start3A_39 = tpu.memref_slice %arg9[%dma_start3A_37, %dma_start3A_38] : memref<1024x32xf32, #tpu.memory_space<vmem>> -> memref<128x32xf32, #tpu.memory_space<vmem>>
      %dma_start3A_40 = arith.constant 0 : i32
      %dma_start3A_41 = tpu.memref_slice %arg8[%dma_start3A_36, %dma_start3A_40] : memref<8x128xi32, #tpu.memory_space<vmem>> -> memref<1x128xi32, #tpu.memory_space<vmem>>
      %dma_start3A_42 = tpu.memref_squeeze %dma_start3A_41 : memref<1x128xi32, #tpu.memory_space<vmem>> -> memref<128xi32, #tpu.memory_space<vmem>>
      %dma_start3A_43 = arith.constant 0 : i32
      %dma_start3A_44 = arith.constant 0 : i32
      %dma_start3A_45 = tpu.memref_slice %arg4[%dma_start3A_43, %dma_start3A_44] : memref<2600000x32xf32, #tpu.memory_space<hbm>> -> memref<2600000x32xf32, #tpu.memory_space<hbm>>
      tpu.enqueue_indirect_dma source(%dma_start3A_45 : memref<2600000x32xf32, #tpu.memory_space<hbm>>) target(%dma_start3A_39 : memref<128x32xf32, #tpu.memory_space<vmem>>) offsets(%dma_start3A_42 : memref<128xi32, #tpu.memory_space<vmem>>) semaphore(%arg13 : memref<!tpu.dma_semaphore, #tpu.memory_space<semaphore_mem>>)
      %dma_start3A_46 = arith.constant 3 : i32
      %dma_start3A_47 = arith.constant 384 : i32
      %dma_start3A_48 = arith.constant 0 : i32
      %dma_start3A_49 = tpu.memref_slice %arg9[%dma_start3A_47, %dma_start3A_48] : memref<1024x32xf32, #tpu.memory_space<vmem>> -> memref<128x32xf32, #tpu.memory_space<vmem>>
      %dma_start3A_50 = arith.constant 0 : i32
      %dma_start3A_51 = tpu.memref_slice %arg8[%dma_start3A_46, %dma_start3A_50] : memref<8x128xi32, #tpu.memory_space<vmem>> -> memref<1x128xi32, #tpu.memory_space<vmem>>
      %dma_start3A_52 = tpu.memref_squeeze %dma_start3A_51 : memref<1x128xi32, #tpu.memory_space<vmem>> -> memref<128xi32, #tpu.memory_space<vmem>>
      %dma_start3A_53 = arith.constant 0 : i32
      %dma_start3A_54 = arith.constant 0 : i32
      %dma_start3A_55 = tpu.memref_slice %arg4[%dma_start3A_53, %dma_start3A_54] : memref<2600000x32xf32, #tpu.memory_space<hbm>> -> memref<2600000x32xf32, #tpu.memory_space<hbm>>
      tpu.enqueue_indirect_dma source(%dma_start3A_55 : memref<2600000x32xf32, #tpu.memory_space<hbm>>) target(%dma_start3A_49 : memref<128x32xf32, #tpu.memory_space<vmem>>) offsets(%dma_start3A_52 : memref<128xi32, #tpu.memory_space<vmem>>) semaphore(%arg13 : memref<!tpu.dma_semaphore, #tpu.memory_space<semaphore_mem>>)
      %dma_start3A_56 = arith.constant 4 : i32
      %dma_start3A_57 = arith.constant 512 : i32
      %dma_start3A_58 = arith.constant 0 : i32
      %dma_start3A_59 = tpu.memref_slice %arg9[%dma_start3A_57, %dma_start3A_58] : memref<1024x32xf32, #tpu.memory_space<vmem>> -> memref<128x32xf32, #tpu.memory_space<vmem>>
      %dma_start3A_60 = arith.constant 0 : i32
      %dma_start3A_61 = tpu.memref_slice %arg8[%dma_start3A_56, %dma_start3A_60] : memref<8x128xi32, #tpu.memory_space<vmem>> -> memref<1x128xi32, #tpu.memory_space<vmem>>
      %dma_start3A_62 = tpu.memref_squeeze %dma_start3A_61 : memref<1x128xi32, #tpu.memory_space<vmem>> -> memref<128xi32, #tpu.memory_space<vmem>>
      %dma_start3A_63 = arith.constant 0 : i32
      %dma_start3A_64 = arith.constant 0 : i32
      %dma_start3A_65 = tpu.memref_slice %arg4[%dma_start3A_63, %dma_start3A_64] : memref<2600000x32xf32, #tpu.memory_space<hbm>> -> memref<2600000x32xf32, #tpu.memory_space<hbm>>
      tpu.enqueue_indirect_dma source(%dma_start3A_65 : memref<2600000x32xf32, #tpu.memory_space<hbm>>) target(%dma_start3A_59 : memref<128x32xf32, #tpu.memory_space<vmem>>) offsets(%dma_start3A_62 : memref<128xi32, #tpu.memory_space<vmem>>) semaphore(%arg13 : memref<!tpu.dma_semaphore, #tpu.memory_space<semaphore_mem>>)
      %dma_start3A_66 = arith.constant 5 : i32
      %dma_start3A_67 = arith.constant 640 : i32
      %dma_start3A_68 = arith.constant 0 : i32
      %dma_start3A_69 = tpu.memref_slice %arg9[%dma_start3A_67, %dma_start3A_68] : memref<1024x32xf32, #tpu.memory_space<vmem>> -> memref<128x32xf32, #tpu.memory_space<vmem>>
      %dma_start3A_70 = arith.constant 0 : i32
      %dma_start3A_71 = tpu.memref_slice %arg8[%dma_start3A_66, %dma_start3A_70] : memref<8x128xi32, #tpu.memory_space<vmem>> -> memref<1x128xi32, #tpu.memory_space<vmem>>
      %dma_start3A_72 = tpu.memref_squeeze %dma_start3A_71 : memref<1x128xi32, #tpu.memory_space<vmem>> -> memref<128xi32, #tpu.memory_space<vmem>>
      %dma_start3A_73 = arith.constant 0 : i32
      %dma_start3A_74 = arith.constant 0 : i32
      %dma_start3A_75 = tpu.memref_slice %arg4[%dma_start3A_73, %dma_start3A_74] : memref<2600000x32xf32, #tpu.memory_space<hbm>> -> memref<2600000x32xf32, #tpu.memory_space<hbm>>
      tpu.enqueue_indirect_dma source(%dma_start3A_75 : memref<2600000x32xf32, #tpu.memory_space<hbm>>) target(%dma_start3A_69 : memref<128x32xf32, #tpu.memory_space<vmem>>) offsets(%dma_start3A_72 : memref<128xi32, #tpu.memory_space<vmem>>) semaphore(%arg13 : memref<!tpu.dma_semaphore, #tpu.memory_space<semaphore_mem>>)
      %dma_start3A_76 = arith.constant 6 : i32
      %dma_start3A_77 = arith.constant 768 : i32
      %dma_start3A_78 = arith.constant 0 : i32
      %dma_start3A_79 = tpu.memref_slice %arg9[%dma_start3A_77, %dma_start3A_78] : memref<1024x32xf32, #tpu.memory_space<vmem>> -> memref<128x32xf32, #tpu.memory_space<vmem>>
      %dma_start3A_80 = arith.constant 0 : i32
      %dma_start3A_81 = tpu.memref_slice %arg8[%dma_start3A_76, %dma_start3A_80] : memref<8x128xi32, #tpu.memory_space<vmem>> -> memref<1x128xi32, #tpu.memory_space<vmem>>
      %dma_start3A_82 = tpu.memref_squeeze %dma_start3A_81 : memref<1x128xi32, #tpu.memory_space<vmem>> -> memref<128xi32, #tpu.memory_space<vmem>>
      %dma_start3A_83 = arith.constant 0 : i32
      %dma_start3A_84 = arith.constant 0 : i32
      %dma_start3A_85 = tpu.memref_slice %arg4[%dma_start3A_83, %dma_start3A_84] : memref<2600000x32xf32, #tpu.memory_space<hbm>> -> memref<2600000x32xf32, #tpu.memory_space<hbm>>
      tpu.enqueue_indirect_dma source(%dma_start3A_85 : memref<2600000x32xf32, #tpu.memory_space<hbm>>) target(%dma_start3A_79 : memref<128x32xf32, #tpu.memory_space<vmem>>) offsets(%dma_start3A_82 : memref<128xi32, #tpu.memory_space<vmem>>) semaphore(%arg13 : memref<!tpu.dma_semaphore, #tpu.memory_space<semaphore_mem>>)
      %dma_start3A_86 = arith.constant 7 : i32
      %dma_start3A_87 = arith.constant 896 : i32
      %dma_start3A_88 = arith.constant 0 : i32
      %dma_start3A_89 = tpu.memref_slice %arg9[%dma_start3A_87, %dma_start3A_88] : memref<1024x32xf32, #tpu.memory_space<vmem>> -> memref<128x32xf32, #tpu.memory_space<vmem>>
      %dma_start3A_90 = arith.constant 0 : i32
      %dma_start3A_91 = tpu.memref_slice %arg8[%dma_start3A_86, %dma_start3A_90] : memref<8x128xi32, #tpu.memory_space<vmem>> -> memref<1x128xi32, #tpu.memory_space<vmem>>
      %dma_start3A_92 = tpu.memref_squeeze %dma_start3A_91 : memref<1x128xi32, #tpu.memory_space<vmem>> -> memref<128xi32, #tpu.memory_space<vmem>>
      %dma_start3A_93 = arith.constant 0 : i32
      %dma_start3A_94 = arith.constant 0 : i32
      %dma_start3A_95 = tpu.memref_slice %arg4[%dma_start3A_93, %dma_start3A_94] : memref<2600000x32xf32, #tpu.memory_space<hbm>> -> memref<2600000x32xf32, #tpu.memory_space<hbm>>
      tpu.enqueue_indirect_dma source(%dma_start3A_95 : memref<2600000x32xf32, #tpu.memory_space<hbm>>) target(%dma_start3A_89 : memref<128x32xf32, #tpu.memory_space<vmem>>) offsets(%dma_start3A_92 : memref<128xi32, #tpu.memory_space<vmem>>) semaphore(%arg13 : memref<!tpu.dma_semaphore, #tpu.memory_space<semaphore_mem>>)
      %dma_wait3A = arith.constant 0 : i32
      %dma_wait3A_96 = arith.constant 0 : i32
      %dma_wait3A_97 = arith.constant 0 : i32
      %dma_wait3A_98 = tpu.memref_slice %arg9[%dma_wait3A_96, %dma_wait3A_97] : memref<1024x32xf32, #tpu.memory_space<vmem>> -> memref<128x32xf32, #tpu.memory_space<vmem>>
      %dma_wait3A_99 = arith.constant 0 : i32
      %dma_wait3A_100 = tpu.memref_slice %arg8[%dma_wait3A, %dma_wait3A_99] : memref<8x128xi32, #tpu.memory_space<vmem>> -> memref<1x128xi32, #tpu.memory_space<vmem>>
      %dma_wait3A_101 = tpu.memref_squeeze %dma_wait3A_100 : memref<1x128xi32, #tpu.memory_space<vmem>> -> memref<128xi32, #tpu.memory_space<vmem>>
      %dma_wait3A_102 = arith.constant 0 : i32
      %dma_wait3A_103 = arith.constant 0 : i32
      %dma_wait3A_104 = tpu.memref_slice %arg4[%dma_wait3A_102, %dma_wait3A_103] : memref<2600000x32xf32, #tpu.memory_space<hbm>> -> memref<2600000x32xf32, #tpu.memory_space<hbm>>
      tpu.wait_indirect_dma semaphore(%arg13 : memref<!tpu.dma_semaphore, #tpu.memory_space<semaphore_mem>>) src(%dma_wait3A_104 : memref<2600000x32xf32, #tpu.memory_space<hbm>>) dst(%dma_wait3A_98 : memref<128x32xf32, #tpu.memory_space<vmem>>)
      %dma_wait3A_105 = arith.constant 1 : i32
      %dma_wait3A_106 = arith.constant 128 : i32
      %dma_wait3A_107 = arith.constant 0 : i32
      %dma_wait3A_108 = tpu.memref_slice %arg9[%dma_wait3A_106, %dma_wait3A_107] : memref<1024x32xf32, #tpu.memory_space<vmem>> -> memref<128x32xf32, #tpu.memory_space<vmem>>
      %dma_wait3A_109 = arith.constant 0 : i32
      %dma_wait3A_110 = tpu.memref_slice %arg8[%dma_wait3A_105, %dma_wait3A_109] : memref<8x128xi32, #tpu.memory_space<vmem>> -> memref<1x128xi32, #tpu.memory_space<vmem>>
      %dma_wait3A_111 = tpu.memref_squeeze %dma_wait3A_110 : memref<1x128xi32, #tpu.memory_space<vmem>> -> memref<128xi32, #tpu.memory_space<vmem>>
      %dma_wait3A_112 = arith.constant 0 : i32
      %dma_wait3A_113 = arith.constant 0 : i32
      %dma_wait3A_114 = tpu.memref_slice %arg4[%dma_wait3A_112, %dma_wait3A_113] : memref<2600000x32xf32, #tpu.memory_space<hbm>> -> memref<2600000x32xf32, #tpu.memory_space<hbm>>
      tpu.wait_indirect_dma semaphore(%arg13 : memref<!tpu.dma_semaphore, #tpu.memory_space<semaphore_mem>>) src(%dma_wait3A_114 : memref<2600000x32xf32, #tpu.memory_space<hbm>>) dst(%dma_wait3A_108 : memref<128x32xf32, #tpu.memory_space<vmem>>)
      %dma_wait3A_115 = arith.constant 2 : i32
      %dma_wait3A_116 = arith.constant 256 : i32
      %dma_wait3A_117 = arith.constant 0 : i32
      %dma_wait3A_118 = tpu.memref_slice %arg9[%dma_wait3A_116, %dma_wait3A_117] : memref<1024x32xf32, #tpu.memory_space<vmem>> -> memref<128x32xf32, #tpu.memory_space<vmem>>
      %dma_wait3A_119 = arith.constant 0 : i32
      %dma_wait3A_120 = tpu.memref_slice %arg8[%dma_wait3A_115, %dma_wait3A_119] : memref<8x128xi32, #tpu.memory_space<vmem>> -> memref<1x128xi32, #tpu.memory_space<vmem>>
      %dma_wait3A_121 = tpu.memref_squeeze %dma_wait3A_120 : memref<1x128xi32, #tpu.memory_space<vmem>> -> memref<128xi32, #tpu.memory_space<vmem>>
      %dma_wait3A_122 = arith.constant 0 : i32
      %dma_wait3A_123 = arith.constant 0 : i32
      %dma_wait3A_124 = tpu.memref_slice %arg4[%dma_wait3A_122, %dma_wait3A_123] : memref<2600000x32xf32, #tpu.memory_space<hbm>> -> memref<2600000x32xf32, #tpu.memory_space<hbm>>
      tpu.wait_indirect_dma semaphore(%arg13 : memref<!tpu.dma_semaphore, #tpu.memory_space<semaphore_mem>>) src(%dma_wait3A_124 : memref<2600000x32xf32, #tpu.memory_space<hbm>>) dst(%dma_wait3A_118 : memref<128x32xf32, #tpu.memory_space<vmem>>)
      %dma_wait3A_125 = arith.constant 3 : i32
      %dma_wait3A_126 = arith.constant 384 : i32
      %dma_wait3A_127 = arith.constant 0 : i32
      %dma_wait3A_128 = tpu.memref_slice %arg9[%dma_wait3A_126, %dma_wait3A_127] : memref<1024x32xf32, #tpu.memory_space<vmem>> -> memref<128x32xf32, #tpu.memory_space<vmem>>
      %dma_wait3A_129 = arith.constant 0 : i32
      %dma_wait3A_130 = tpu.memref_slice %arg8[%dma_wait3A_125, %dma_wait3A_129] : memref<8x128xi32, #tpu.memory_space<vmem>> -> memref<1x128xi32, #tpu.memory_space<vmem>>
      %dma_wait3A_131 = tpu.memref_squeeze %dma_wait3A_130 : memref<1x128xi32, #tpu.memory_space<vmem>> -> memref<128xi32, #tpu.memory_space<vmem>>
      %dma_wait3A_132 = arith.constant 0 : i32
      %dma_wait3A_133 = arith.constant 0 : i32
      %dma_wait3A_134 = tpu.memref_slice %arg4[%dma_wait3A_132, %dma_wait3A_133] : memref<2600000x32xf32, #tpu.memory_space<hbm>> -> memref<2600000x32xf32, #tpu.memory_space<hbm>>
      tpu.wait_indirect_dma semaphore(%arg13 : memref<!tpu.dma_semaphore, #tpu.memory_space<semaphore_mem>>) src(%dma_wait3A_134 : memref<2600000x32xf32, #tpu.memory_space<hbm>>) dst(%dma_wait3A_128 : memref<128x32xf32, #tpu.memory_space<vmem>>)
      %dma_wait3A_135 = arith.constant 4 : i32
      %dma_wait3A_136 = arith.constant 512 : i32
      %dma_wait3A_137 = arith.constant 0 : i32
      %dma_wait3A_138 = tpu.memref_slice %arg9[%dma_wait3A_136, %dma_wait3A_137] : memref<1024x32xf32, #tpu.memory_space<vmem>> -> memref<128x32xf32, #tpu.memory_space<vmem>>
      %dma_wait3A_139 = arith.constant 0 : i32
      %dma_wait3A_140 = tpu.memref_slice %arg8[%dma_wait3A_135, %dma_wait3A_139] : memref<8x128xi32, #tpu.memory_space<vmem>> -> memref<1x128xi32, #tpu.memory_space<vmem>>
      %dma_wait3A_141 = tpu.memref_squeeze %dma_wait3A_140 : memref<1x128xi32, #tpu.memory_space<vmem>> -> memref<128xi32, #tpu.memory_space<vmem>>
      %dma_wait3A_142 = arith.constant 0 : i32
      %dma_wait3A_143 = arith.constant 0 : i32
      %dma_wait3A_144 = tpu.memref_slice %arg4[%dma_wait3A_142, %dma_wait3A_143] : memref<2600000x32xf32, #tpu.memory_space<hbm>> -> memref<2600000x32xf32, #tpu.memory_space<hbm>>
      tpu.wait_indirect_dma semaphore(%arg13 : memref<!tpu.dma_semaphore, #tpu.memory_space<semaphore_mem>>) src(%dma_wait3A_144 : memref<2600000x32xf32, #tpu.memory_space<hbm>>) dst(%dma_wait3A_138 : memref<128x32xf32, #tpu.memory_space<vmem>>)
      %dma_wait3A_145 = arith.constant 5 : i32
      %dma_wait3A_146 = arith.constant 640 : i32
      %dma_wait3A_147 = arith.constant 0 : i32
      %dma_wait3A_148 = tpu.memref_slice %arg9[%dma_wait3A_146, %dma_wait3A_147] : memref<1024x32xf32, #tpu.memory_space<vmem>> -> memref<128x32xf32, #tpu.memory_space<vmem>>
      %dma_wait3A_149 = arith.constant 0 : i32
      %dma_wait3A_150 = tpu.memref_slice %arg8[%dma_wait3A_145, %dma_wait3A_149] : memref<8x128xi32, #tpu.memory_space<vmem>> -> memref<1x128xi32, #tpu.memory_space<vmem>>
      %dma_wait3A_151 = tpu.memref_squeeze %dma_wait3A_150 : memref<1x128xi32, #tpu.memory_space<vmem>> -> memref<128xi32, #tpu.memory_space<vmem>>
      %dma_wait3A_152 = arith.constant 0 : i32
      %dma_wait3A_153 = arith.constant 0 : i32
      %dma_wait3A_154 = tpu.memref_slice %arg4[%dma_wait3A_152, %dma_wait3A_153] : memref<2600000x32xf32, #tpu.memory_space<hbm>> -> memref<2600000x32xf32, #tpu.memory_space<hbm>>
      tpu.wait_indirect_dma semaphore(%arg13 : memref<!tpu.dma_semaphore, #tpu.memory_space<semaphore_mem>>) src(%dma_wait3A_154 : memref<2600000x32xf32, #tpu.memory_space<hbm>>) dst(%dma_wait3A_148 : memref<128x32xf32, #tpu.memory_space<vmem>>)
      %dma_wait3A_155 = arith.constant 6 : i32
      %dma_wait3A_156 = arith.constant 768 : i32
      %dma_wait3A_157 = arith.constant 0 : i32
      %dma_wait3A_158 = tpu.memref_slice %arg9[%dma_wait3A_156, %dma_wait3A_157] : memref<1024x32xf32, #tpu.memory_space<vmem>> -> memref<128x32xf32, #tpu.memory_space<vmem>>
      %dma_wait3A_159 = arith.constant 0 : i32
      %dma_wait3A_160 = tpu.memref_slice %arg8[%dma_wait3A_155, %dma_wait3A_159] : memref<8x128xi32, #tpu.memory_space<vmem>> -> memref<1x128xi32, #tpu.memory_space<vmem>>
      %dma_wait3A_161 = tpu.memref_squeeze %dma_wait3A_160 : memref<1x128xi32, #tpu.memory_space<vmem>> -> memref<128xi32, #tpu.memory_space<vmem>>
      %dma_wait3A_162 = arith.constant 0 : i32
      %dma_wait3A_163 = arith.constant 0 : i32
      %dma_wait3A_164 = tpu.memref_slice %arg4[%dma_wait3A_162, %dma_wait3A_163] : memref<2600000x32xf32, #tpu.memory_space<hbm>> -> memref<2600000x32xf32, #tpu.memory_space<hbm>>
      tpu.wait_indirect_dma semaphore(%arg13 : memref<!tpu.dma_semaphore, #tpu.memory_space<semaphore_mem>>) src(%dma_wait3A_164 : memref<2600000x32xf32, #tpu.memory_space<hbm>>) dst(%dma_wait3A_158 : memref<128x32xf32, #tpu.memory_space<vmem>>)
      %dma_wait3A_165 = arith.constant 7 : i32
      %dma_wait3A_166 = arith.constant 896 : i32
      %dma_wait3A_167 = arith.constant 0 : i32
      %dma_wait3A_168 = tpu.memref_slice %arg9[%dma_wait3A_166, %dma_wait3A_167] : memref<1024x32xf32, #tpu.memory_space<vmem>> -> memref<128x32xf32, #tpu.memory_space<vmem>>
      %dma_wait3A_169 = arith.constant 0 : i32
      %dma_wait3A_170 = tpu.memref_slice %arg8[%dma_wait3A_165, %dma_wait3A_169] : memref<8x128xi32, #tpu.memory_space<vmem>> -> memref<1x128xi32, #tpu.memory_space<vmem>>
      %dma_wait3A_171 = tpu.memref_squeeze %dma_wait3A_170 : memref<1x128xi32, #tpu.memory_space<vmem>> -> memref<128xi32, #tpu.memory_space<vmem>>
      %dma_wait3A_172 = arith.constant 0 : i32
      %dma_wait3A_173 = arith.constant 0 : i32
      %dma_wait3A_174 = tpu.memref_slice %arg4[%dma_wait3A_172, %dma_wait3A_173] : memref<2600000x32xf32, #tpu.memory_space<hbm>> -> memref<2600000x32xf32, #tpu.memory_space<hbm>>
      tpu.wait_indirect_dma semaphore(%arg13 : memref<!tpu.dma_semaphore, #tpu.memory_space<semaphore_mem>>) src(%dma_wait3A_174 : memref<2600000x32xf32, #tpu.memory_space<hbm>>) dst(%dma_wait3A_168 : memref<128x32xf32, #tpu.memory_space<vmem>>)
      %scan3A_175 = arith.constant 0 : i32
      %scan3A_176 = arith.constant 32 : i32
      %scan3A_177 = arith.addi %scan3A_175, %scan3A_176 : i32
      %scan3A_178 = arith.constant 1 : i32
      scf.for %scan3A_216 = %scan3A_175 to %scan3A_177 step %scan3A_178  : i32 {
        %add3A_217 = vector.broadcast %scan3A_216 : i32 to vector<16xi32>
        %add3A_218 = arith.addi %add3A_217, %iota3A : vector<16xi32>
        %rem3A = arith.constant 32 : i32
        %rem3A_219 = vector.broadcast %rem3A : i32 to vector<16xi32>
        %rem3A_220 = arith.remsi %add3A_218, %rem3A_219 : vector<16xi32>
        %mul3A_221 = arith.constant 32 : i32
        %mul3A_222 = arith.muli %add3A, %mul3A_221 : i32
        %add3A_223 = vector.broadcast %mul3A_222 : i32 to vector<16xi32>
        %add3A_224 = arith.addi %rem3A_220, %add3A_223 : vector<16xi32>
        %gather3A = tpu.vector_load_idx %arg12[%add3A_224] : memref<896xf32, #tpu.memory_space<vmem>>[vector<16xi32>], vector<16xf32>,
        %jit3A = arith.constant 8 : i32
        %div3A = vector.broadcast %jit3A : i32 to vector<16xi32>
        %div3A_225 = arith.divsi %rem3A_220, %div3A : vector<16xi32>
        %sign3A = arith.constant 0 : i32
        %sign3A_226 = vector.broadcast %sign3A : i32 to vector<16xi32>
        %sign3A_227 = arith.cmpi sgt, %rem3A_220, %sign3A_226 : vector<16xi32>
        %sign3A_228 = arith.extui %sign3A_227 : vector<16xi1> to vector<16xi32>
        %sign3A_229 = arith.constant 0 : i32
        %sign3A_230 = vector.broadcast %sign3A_229 : i32 to vector<16xi32>
        %sign3A_231 = arith.cmpi slt, %rem3A_220, %sign3A_230 : vector<16xi32>
        %sign3A_232 = arith.extui %sign3A_231 : vector<16xi1> to vector<16xi32>
        %sign3A_233 = arith.subi %sign3A_228, %sign3A_232 : vector<16xi32>
        %sign3A_234 = arith.constant 0 : i32
        %sign3A_235 = arith.cmpi sgt, %jit3A, %sign3A_234 : i32
        %sign3A_236 = arith.extui %sign3A_235 : i1 to i32
        %sign3A_237 = arith.constant 0 : i32
        %sign3A_238 = arith.cmpi slt, %jit3A, %sign3A_237 : i32
        %sign3A_239 = arith.extui %sign3A_238 : i1 to i32
        %sign3A_240 = arith.subi %sign3A_236, %sign3A_239 : i32
        %ne3A = vector.broadcast %sign3A_240 : i32 to vector<16xi32>
        %ne3A_241 = arith.cmpi ne, %sign3A_233, %ne3A : vector<16xi32>
        %rem3A_242 = vector.broadcast %jit3A : i32 to vector<16xi32>
        %rem3A_243 = arith.remsi %rem3A_220, %rem3A_242 : vector<16xi32>
        %ne3A_244 = arith.constant 0 : i32
        %ne3A_245 = vector.broadcast %ne3A_244 : i32 to vector<16xi32>
        %ne3A_246 = arith.cmpi ne, %rem3A_243, %ne3A_245 : vector<16xi32>
        %and3A = arith.andi %ne3A_241, %ne3A_246 : vector<16xi1>
        %sub3A = arith.constant 1 : i32
        %sub3A_247 = vector.broadcast %sub3A : i32 to vector<16xi32>
        %sub3A_248 = arith.subi %div3A_225, %sub3A_247 : vector<16xi32>
        %select_n3A = arith.select %and3A, %sub3A_248, %div3A_225 : vector<16xi1>, vector<16xi32>
        %mul3A_249 = arith.constant 8192 : i32
        %mul3A_250 = vector.broadcast %mul3A_249 : i32 to vector<16xi32>
        %mul3A_251 = arith.muli %select_n3A, %mul3A_250 : vector<16xi32>
        %rem3A_252 = arith.constant 8 : i32
        %rem3A_253 = vector.broadcast %rem3A_252 : i32 to vector<16xi32>
        %rem3A_254 = arith.remsi %rem3A_220, %rem3A_253 : vector<16xi32>
        %mul3A_255 = arith.constant 128 : i32
        %mul3A_256 = vector.broadcast %mul3A_255 : i32 to vector<16xi32>
        %mul3A_257 = arith.muli %rem3A_254, %mul3A_256 : vector<16xi32>
        %add3A_258 = arith.addi %mul3A_251, %mul3A_257 : vector<16xi32>
        %add3A_259 = arith.addi %add3A_258, %iota3A : vector<16xi32>
        %parallel_loop3A_260 = arith.constant 0 : i32
        %parallel_loop3A_261 = arith.constant 64 : i32
        %parallel_loop3A_262 = arith.constant 1 : i32
        scf.for %parallel_loop3A_263 = %parallel_loop3A_260 to %parallel_loop3A_261 step %parallel_loop3A_262  : i32 {
          %parallel_loop3A_264 = arith.constant 16 : i32
          %parallel_loop3A_265 = arith.muli %parallel_loop3A_263, %parallel_loop3A_264 : i32
          %parallel_loop3A_266 = vector.broadcast %parallel_loop3A_265 : i32 to vector<16xi32>
          %parallel_loop3A_267 = arith.addi %iota3A, %parallel_loop3A_266 : vector<16xi32>
          %parallel_loop3A_268 = tpu.vector_load_idx %arg9[%parallel_loop3A_267, %rem3A_220] : memref<1024x32xf32, #tpu.memory_space<vmem>>[vector<16xi32>, vector<16xi32>], vector<16xf32>,
          %parallel_loop3A_269 = arith.constant 16 : i32
          %parallel_loop3A_270 = arith.muli %parallel_loop3A_263, %parallel_loop3A_269 : i32
          %parallel_loop3A_271 = arith.constant 128 : i32
          %parallel_loop3A_272 = arith.divsi %parallel_loop3A_270, %parallel_loop3A_271 : i32
          %parallel_loop3A_273 = arith.constant 0 : i32
          %parallel_loop3A_274 = arith.cmpi sgt, %parallel_loop3A_270, %parallel_loop3A_273 : i32
          %parallel_loop3A_275 = arith.extui %parallel_loop3A_274 : i1 to i32
          %parallel_loop3A_276 = arith.constant 0 : i32
          %parallel_loop3A_277 = arith.cmpi slt, %parallel_loop3A_270, %parallel_loop3A_276 : i32
          %parallel_loop3A_278 = arith.extui %parallel_loop3A_277 : i1 to i32
          %parallel_loop3A_279 = arith.subi %parallel_loop3A_275, %parallel_loop3A_278 : i32
          %parallel_loop3A_280 = arith.constant 0 : i32
          %parallel_loop3A_281 = arith.cmpi sgt, %parallel_loop3A_271, %parallel_loop3A_280 : i32
          %parallel_loop3A_282 = arith.extui %parallel_loop3A_281 : i1 to i32
          %parallel_loop3A_283 = arith.constant 0 : i32
          %parallel_loop3A_284 = arith.cmpi slt, %parallel_loop3A_271, %parallel_loop3A_283 : i32
          %parallel_loop3A_285 = arith.extui %parallel_loop3A_284 : i1 to i32
          %parallel_loop3A_286 = arith.subi %parallel_loop3A_282, %parallel_loop3A_285 : i32
          %parallel_loop3A_287 = arith.cmpi ne, %parallel_loop3A_279, %parallel_loop3A_286 : i32
          %parallel_loop3A_288 = arith.remsi %parallel_loop3A_270, %parallel_loop3A_271 : i32
          %parallel_loop3A_289 = arith.constant 0 : i32
          %parallel_loop3A_290 = arith.cmpi ne, %parallel_loop3A_288, %parallel_loop3A_289 : i32
          %parallel_loop3A_291 = arith.andi %parallel_loop3A_287, %parallel_loop3A_290 : i1
          %parallel_loop3A_292 = arith.constant 1 : i32
          %parallel_loop3A_293 = arith.subi %parallel_loop3A_272, %parallel_loop3A_292 : i32
          %parallel_loop3A_294 = arith.select %parallel_loop3A_291, %parallel_loop3A_293, %parallel_loop3A_272 : i32
          %parallel_loop3A_295 = arith.constant 1024 : i32
          %parallel_loop3A_296 = arith.muli %parallel_loop3A_294, %parallel_loop3A_295 : i32
          %parallel_loop3A_297 = arith.constant 16 : i32
          %parallel_loop3A_298 = arith.muli %parallel_loop3A_263, %parallel_loop3A_297 : i32
          %parallel_loop3A_299 = arith.constant 128 : i32
          %parallel_loop3A_300 = arith.remsi %parallel_loop3A_298, %parallel_loop3A_299 : i32
          %parallel_loop3A_301 = arith.addi %parallel_loop3A_296, %parallel_loop3A_300 : i32
          %parallel_loop3A_302 = vector.broadcast %parallel_loop3A_301 : i32 to vector<16xi32>
          %parallel_loop3A_303 = arith.addi %add3A_259, %parallel_loop3A_302 : vector<16xi32>
          %parallel_loop3A_304 = arith.addf %parallel_loop3A_268, %gather3A : vector<16xf32>
          tpu.vector_store_idx %arg10[%parallel_loop3A_303], %parallel_loop3A_304 : memref<32768xf32, #tpu.memory_space<vmem>>[vector<16xi32>], vector<16xf32>,
        } {sc.loop_unroll_factor = 8 : i64, sc.parallel_access}
      }
      %scan3A_179 = arith.constant 32 : i32
      %mul3A_180 = arith.constant 4 : i32
      %mul3A_181 = arith.muli %add3A, %mul3A_180 : i32
      %add3A_182 = arith.constant 0 : i32
      %add3A_183 = arith.addi %mul3A_181, %add3A_182 : i32
      %mul3A_184 = arith.constant 131072 : i32
      %mul3A_185 = arith.muli %add3A_183, %mul3A_184 : i32
      %mul3A_186 = arith.constant 8192 : i32
      %mul3A_187 = arith.muli %arg1, %mul3A_186 : i32
      %add3A_188 = arith.addi %mul3A_185, %mul3A_187 : i32
      "tpu.region"() ({
        %run_scoped3A = tpu.sem_alloc : memref<!tpu.dma_semaphore, #tpu.memory_space<semaphore_mem>>
        %dma_start3A_216 = arith.constant 0 : i32
        %dma_start3A_217 = tpu.memref_slice %arg10[%dma_start3A_216] : memref<32768xf32, #tpu.memory_space<vmem>> -> memref<8192xf32, #tpu.memory_space<vmem>>
        %dma_start3A_218 = tpu.memref_slice %arg6[%add3A_188] : memref<13631488xf32, #tpu.memory_space<hbm>> -> memref<8192xf32, #tpu.memory_space<hbm>>
        %dma_start3A_219 = tpu.memref_slice %arg6[%add3A_188] : memref<13631488xf32, #tpu.memory_space<hbm>> -> memref<8192xf32, #tpu.memory_space<hbm>>
        %dma_start3A_220 = arith.constant 0 : i32
        %dma_start3A_221 = tpu.memref_slice %arg10[%dma_start3A_220] : memref<32768xf32, #tpu.memory_space<vmem>> -> memref<8192xf32, #tpu.memory_space<vmem>>
        tpu.enqueue_dma source(%dma_start3A_221 : memref<8192xf32, #tpu.memory_space<vmem>>) target(%dma_start3A_219 : memref<8192xf32, #tpu.memory_space<hbm>>) target_semaphore(%run_scoped3A : memref<!tpu.dma_semaphore, #tpu.memory_space<semaphore_mem>>)
        %dma_wait3A_222 = arith.constant 0 : i32
        %dma_wait3A_223 = tpu.memref_slice %arg10[%dma_wait3A_222] : memref<32768xf32, #tpu.memory_space<vmem>> -> memref<8192xf32, #tpu.memory_space<vmem>>
        %dma_wait3A_224 = tpu.memref_slice %arg6[%add3A_188] : memref<13631488xf32, #tpu.memory_space<hbm>> -> memref<8192xf32, #tpu.memory_space<hbm>>
        %dma_wait3A_225 = tpu.memref_slice %arg6[%add3A_188] : memref<13631488xf32, #tpu.memory_space<hbm>> -> memref<8192xf32, #tpu.memory_space<hbm>>
        %dma_wait3A_226 = arith.constant 0 : i32
        %dma_wait3A_227 = tpu.memref_slice %arg10[%dma_wait3A_226] : memref<32768xf32, #tpu.memory_space<vmem>> -> memref<8192xf32, #tpu.memory_space<vmem>>
        tpu.wait_dma2 semaphore(%run_scoped3A : memref<!tpu.dma_semaphore, #tpu.memory_space<semaphore_mem>>) src(%dma_wait3A_227 : memref<8192xf32, #tpu.memory_space<vmem>>) dst(%dma_wait3A_225 : memref<8192xf32, #tpu.memory_space<hbm>>)
        tpu.yield
      }) : () -> ()
      %mul3A_189 = arith.constant 4 : i32
      %mul3A_190 = arith.muli %add3A, %mul3A_189 : i32
      %add3A_191 = arith.constant 1 : i32
      %add3A_192 = arith.addi %mul3A_190, %add3A_191 : i32
      %mul3A_193 = arith.constant 131072 : i32
      %mul3A_194 = arith.muli %add3A_192, %mul3A_193 : i32
      %mul3A_195 = arith.constant 8192 : i32
      %mul3A_196 = arith.muli %arg1, %mul3A_195 : i32
      %add3A_197 = arith.addi %mul3A_194, %mul3A_196 : i32
      "tpu.region"() ({
        %run_scoped3A = tpu.sem_alloc : memref<!tpu.dma_semaphore, #tpu.memory_space<semaphore_mem>>
        %dma_start3A_216 = arith.constant 8192 : i32
        %dma_start3A_217 = tpu.memref_slice %arg10[%dma_start3A_216] : memref<32768xf32, #tpu.memory_space<vmem>> -> memref<8192xf32, #tpu.memory_space<vmem>>
        %dma_start3A_218 = tpu.memref_slice %arg6[%add3A_197] : memref<13631488xf32, #tpu.memory_space<hbm>> -> memref<8192xf32, #tpu.memory_space<hbm>>
        %dma_start3A_219 = tpu.memref_slice %arg6[%add3A_197] : memref<13631488xf32, #tpu.memory_space<hbm>> -> memref<8192xf32, #tpu.memory_space<hbm>>
        %dma_start3A_220 = arith.constant 8192 : i32
        %dma_start3A_221 = tpu.memref_slice %arg10[%dma_start3A_220] : memref<32768xf32, #tpu.memory_space<vmem>> -> memref<8192xf32, #tpu.memory_space<vmem>>
        tpu.enqueue_dma source(%dma_start3A_221 : memref<8192xf32, #tpu.memory_space<vmem>>) target(%dma_start3A_219 : memref<8192xf32, #tpu.memory_space<hbm>>) target_semaphore(%run_scoped3A : memref<!tpu.dma_semaphore, #tpu.memory_space<semaphore_mem>>)
        %dma_wait3A_222 = arith.constant 8192 : i32
        %dma_wait3A_223 = tpu.memref_slice %arg10[%dma_wait3A_222] : memref<32768xf32, #tpu.memory_space<vmem>> -> memref<8192xf32, #tpu.memory_space<vmem>>
        %dma_wait3A_224 = tpu.memref_slice %arg6[%add3A_197] : memref<13631488xf32, #tpu.memory_space<hbm>> -> memref<8192xf32, #tpu.memory_space<hbm>>
        %dma_wait3A_225 = tpu.memref_slice %arg6[%add3A_197] : memref<13631488xf32, #tpu.memory_space<hbm>> -> memref<8192xf32, #tpu.memory_space<hbm>>
        %dma_wait3A_226 = arith.constant 8192 : i32
        %dma_wait3A_227 = tpu.memref_slice %arg10[%dma_wait3A_226] : memref<32768xf32, #tpu.memory_space<vmem>> -> memref<8192xf32, #tpu.memory_space<vmem>>
        tpu.wait_dma2 semaphore(%run_scoped3A : memref<!tpu.dma_semaphore, #tpu.memory_space<semaphore_mem>>) src(%dma_wait3A_227 : memref<8192xf32, #tpu.memory_space<vmem>>) dst(%dma_wait3A_225 : memref<8192xf32, #tpu.memory_space<hbm>>)
        tpu.yield
      }) : () -> ()
      %mul3A_198 = arith.constant 4 : i32
      %mul3A_199 = arith.muli %add3A, %mul3A_198 : i32
      %add3A_200 = arith.constant 2 : i32
      %add3A_201 = arith.addi %mul3A_199, %add3A_200 : i32
      %mul3A_202 = arith.constant 131072 : i32
      %mul3A_203 = arith.muli %add3A_201, %mul3A_202 : i32
      %mul3A_204 = arith.constant 8192 : i32
      %mul3A_205 = arith.muli %arg1, %mul3A_204 : i32
      %add3A_206 = arith.addi %mul3A_203, %mul3A_205 : i32
      "tpu.region"() ({
        %run_scoped3A = tpu.sem_alloc : memref<!tpu.dma_semaphore, #tpu.memory_space<semaphore_mem>>
        %dma_start3A_216 = arith.constant 16384 : i32
        %dma_start3A_217 = tpu.memref_slice %arg10[%dma_start3A_216] : memref<32768xf32, #tpu.memory_space<vmem>> -> memref<8192xf32, #tpu.memory_space<vmem>>
        %dma_start3A_218 = tpu.memref_slice %arg6[%add3A_206] : memref<13631488xf32, #tpu.memory_space<hbm>> -> memref<8192xf32, #tpu.memory_space<hbm>>
        %dma_start3A_219 = tpu.memref_slice %arg6[%add3A_206] : memref<13631488xf32, #tpu.memory_space<hbm>> -> memref<8192xf32, #tpu.memory_space<hbm>>
        %dma_start3A_220 = arith.constant 16384 : i32
        %dma_start3A_221 = tpu.memref_slice %arg10[%dma_start3A_220] : memref<32768xf32, #tpu.memory_space<vmem>> -> memref<8192xf32, #tpu.memory_space<vmem>>
        tpu.enqueue_dma source(%dma_start3A_221 : memref<8192xf32, #tpu.memory_space<vmem>>) target(%dma_start3A_219 : memref<8192xf32, #tpu.memory_space<hbm>>) target_semaphore(%run_scoped3A : memref<!tpu.dma_semaphore, #tpu.memory_space<semaphore_mem>>)
        %dma_wait3A_222 = arith.constant 16384 : i32
        %dma_wait3A_223 = tpu.memref_slice %arg10[%dma_wait3A_222] : memref<32768xf32, #tpu.memory_space<vmem>> -> memref<8192xf32, #tpu.memory_space<vmem>>
        %dma_wait3A_224 = tpu.memref_slice %arg6[%add3A_206] : memref<13631488xf32, #tpu.memory_space<hbm>> -> memref<8192xf32, #tpu.memory_space<hbm>>
        %dma_wait3A_225 = tpu.memref_slice %arg6[%add3A_206] : memref<13631488xf32, #tpu.memory_space<hbm>> -> memref<8192xf32, #tpu.memory_space<hbm>>
        %dma_wait3A_226 = arith.constant 16384 : i32
        %dma_wait3A_227 = tpu.memref_slice %arg10[%dma_wait3A_226] : memref<32768xf32, #tpu.memory_space<vmem>> -> memref<8192xf32, #tpu.memory_space<vmem>>
        tpu.wait_dma2 semaphore(%run_scoped3A : memref<!tpu.dma_semaphore, #tpu.memory_space<semaphore_mem>>) src(%dma_wait3A_227 : memref<8192xf32, #tpu.memory_space<vmem>>) dst(%dma_wait3A_225 : memref<8192xf32, #tpu.memory_space<hbm>>)
        tpu.yield
      }) : () -> ()
      %mul3A_207 = arith.constant 4 : i32
      %mul3A_208 = arith.muli %add3A, %mul3A_207 : i32
      %add3A_209 = arith.constant 3 : i32
      %add3A_210 = arith.addi %mul3A_208, %add3A_209 : i32
      %mul3A_211 = arith.constant 131072 : i32
      %mul3A_212 = arith.muli %add3A_210, %mul3A_211 : i32
      %mul3A_213 = arith.constant 8192 : i32
      %mul3A_214 = arith.muli %arg1, %mul3A_213 : i32
      %add3A_215 = arith.addi %mul3A_212, %mul3A_214 : i32
      "tpu.region"() ({
        %run_scoped3A = tpu.sem_alloc : memref<!tpu.dma_semaphore, #tpu.memory_space<semaphore_mem>>
        %dma_start3A_216 = arith.constant 24576 : i32
        %dma_start3A_217 = tpu.memref_slice %arg10[%dma_start3A_216] : memref<32768xf32, #tpu.memory_space<vmem>> -> memref<8192xf32, #tpu.memory_space<vmem>>
        %dma_start3A_218 = tpu.memref_slice %arg6[%add3A_215] : memref<13631488xf32, #tpu.memory_space<hbm>> -> memref<8192xf32, #tpu.memory_space<hbm>>
        %dma_start3A_219 = tpu.memref_slice %arg6[%add3A_215] : memref<13631488xf32, #tpu.memory_space<hbm>> -> memref<8192xf32, #tpu.memory_space<hbm>>
        %dma_start3A_220 = arith.constant 24576 : i32
        %dma_start3A_221 = tpu.memref_slice %arg10[%dma_start3A_220] : memref<32768xf32, #tpu.memory_space<vmem>> -> memref<8192xf32, #tpu.memory_space<vmem>>
        tpu.enqueue_dma source(%dma_start3A_221 : memref<8192xf32, #tpu.memory_space<vmem>>) target(%dma_start3A_219 : memref<8192xf32, #tpu.memory_space<hbm>>) target_semaphore(%run_scoped3A : memref<!tpu.dma_semaphore, #tpu.memory_space<semaphore_mem>>)
        %dma_wait3A_222 = arith.constant 24576 : i32
        %dma_wait3A_223 = tpu.memref_slice %arg10[%dma_wait3A_222] : memref<32768xf32, #tpu.memory_space<vmem>> -> memref<8192xf32, #tpu.memory_space<vmem>>
        %dma_wait3A_224 = tpu.memref_slice %arg6[%add3A_215] : memref<13631488xf32, #tpu.memory_space<hbm>> -> memref<8192xf32, #tpu.memory_space<hbm>>
        %dma_wait3A_225 = tpu.memref_slice %arg6[%add3A_215] : memref<13631488xf32, #tpu.memory_space<hbm>> -> memref<8192xf32, #tpu.memory_space<hbm>>
        %dma_wait3A_226 = arith.constant 24576 : i32
        %dma_wait3A_227 = tpu.memref_slice %arg10[%dma_wait3A_226] : memref<32768xf32, #tpu.memory_space<vmem>> -> memref<8192xf32, #tpu.memory_space<vmem>>
        tpu.wait_dma2 semaphore(%run_scoped3A : memref<!tpu.dma_semaphore, #tpu.memory_space<semaphore_mem>>) src(%dma_wait3A_227 : memref<8192xf32, #tpu.memory_space<vmem>>) dst(%dma_wait3A_225 : memref<8192xf32, #tpu.memory_space<hbm>>)
        tpu.yield
      }) : () -> ()
    }
    %scan3A_5 = arith.constant 13 : i32
    return
  }
}

</mosaic_0001>

<sc_bundles>
// kernel: kernel.4.cloned.1.call-start
scs
__scs_entry_jumppad:
0x0: {  	(pc) =	sbr.rel $0x88, $3  }
0x1: {  	(tag) =	ssettag $0x0;
	lr =	simm.s32 $0x1  }
0x2: {  	[smem:$0x3F9D] =	sst lr;
	_ =	strace $0xD0000000  }
0x3: {  	_ = 	snop  }
0x4: {  	_ = 	snop  }
0x5: {  	_ = 	snop  }
0x6: {  	_ = 	snop  }
0x7: {  	_ = 	snop  }
__scs_overlays_trampoline_lowered:
0x8: {  	[smem:$0x3FAC] =	sst s0  }
0x9: {  	[smem:$0x3FAD] =	sst s1  }
0xa: {  	[smem:$0x3FAE] =	sst s2  }
0xb: {  	[smem:$0x3FAF] =	sst s3  }
0xc: {  	[smem:$0x3FB0] =	sst s4  }
0xd: {  	[smem:$0x3FB1] =	sst s5  }
0xe: {  	[smem:$0x3FB2] =	sst s6  }
0xf: {  	[smem:$0x3FB3] =	sst s7  }
0x10: {  	[smem:$0x3FB4] =	sst s8  }
0x11: {  	[smem:$0x3FB5] =	sst s9;
	s0 =	simm.s32 @!p0 $0x0  }
0x12: {  	s1 =	sld [smem:$0x3F9B];
	s0 =	simm.s32 @p0 $0x1  }
0x13: {  	[smem:$0x3FB6] =	sst s0;
	s0 =	simm.s32 @!p1 $0x0  }
0x14: {  	s2 =	sld [smem:$0x3F9A];
	s0 =	simm.s32 @p1 $0x1  }
0x15: {  	[smem:$0x3FB7] =	sst s0;
	s0 =	simm.s32 @!p2 $0x0  }
0x16: {  	s3 =	sld [smem:$0x3FDB];
	s0 =	simm.s32 @p2 $0x1  }
0x17: {  	s4 =	simm.s32 $0x1BF5;
	[smem:$0x3FB9] =	sst s0  }
0x18: {  	s0 =	sld [smem:$0x3F9C];
	_ =	swait.ge [sflag:s4], $0x0  }
0x19: {  	s7 =	sld [smem:$0x3F9D]  }
0x1a: {  	s8 =	sadd.s32 $0xFFFFE003, lr  }
0x1b: {  	s9 =	sadd.s32 $0xFFFFFEF7, lr;
	s5 =	simm.s32 $0xFFFFFFFF;
	p2 =	slt.u32 s8, $0xFFFFF086  }
0x1c: {  	p1 =	slt.u32 s9, $0xF7A;
	s5 =	simm.s32 @!p2 $0x0  }
0x1d: {  	s5 =	simm.s32 @p1 $0x1;
	p0 =	seq.s32 s7, s2  }
0x1e: {  	s7 =	smul.u32 @!p0 $0xF7A, s2;
	p2 =	seq.s32 @!p0 s5, $0x0  }
0x1f: {  	s9 =	smul.u32 $0xF7A, s1;
	s8 =	simm.s32 @!p0 $0x1BF5;
	p2 =	por !p2, p0  }
0x20: {  	[sflag:s8] =	ssyncset.s32 @!p0 $0xFFFFF086;
	s6 =	sadd.s32 @!p0 s3, s7;
	s7 =	simm.s32 @!p0 $0x108  }
0x21: {  	s3 =	sadd.s32 s3, s9;
	s6 =	sadd.s32 @!p0 $0x88, s6;
	s7 =	simm.s32 @p2 $0x1082  }
0x22: {  	[simem:s7], [sflag:s8] =	dma.local @!p0 [hbm:s6], $0xF7A  }
0x23: {  	s9 =	sor.u32 $0xD0000000, s2;
	s6 =	simm.s32 $0x108;
	_ =	swait.ge @!p0 [sflag:s8], $0x0  }
0x24: {  	s3 =	sadd.s32 $0x88, s3;
	s6 =	simm.s32 @!p1 $0x1082;
	[sflag:s4] =	ssyncset.s32 $0xFFFFF086  }
0x25: {  	[simem:s6], [sflag:s4] =	dma.local [hbm:s3], $0xF7A  }
0x26: {  	[smem:$0x3F9D] =	sst s1;
	(tag) =	ssettag s2;
	_ =	strace s9  }
0x27: {  	s1 =	sld [smem:$0x3FAD]  }
0x28: {  	s2 =	sld [smem:$0x3FAE]  }
0x29: {  	s4 =	sld [smem:$0x3FB0]  }
0x2a: {  	p0 =	seq.s32 s5, $0x0;
	s5 =	sld [smem:$0x3FB1]  }
0x2b: {  	s6 =	sld [smem:$0x3FB2]  }
0x2c: {  	s7 =	sld [smem:$0x3FB3]  }
0x2d: {  	s3 =	simm.s32 $0x108;
	s8 =	sld [smem:$0x3FB4]  }
0x2e: {  	s3 =	simm.s32 @!p0 $0x1082;
	s9 =	sld [smem:$0x3FB5]  }
0x2f: {  	lr =	sadd.s32 s0, s3;
	s0 =	sld [smem:$0x3FAC]  }
0x30: {  	s3 =	sld [smem:$0x3FAF]  }
0x31: {  	[smem:$0x3FB8] =	sst s10  }
0x32: {  	s10 =	sld [smem:$0x3FB6];
	_ =	sdelay $0x3  }
0x33: {  	p0 =	seq.s32 s10, $0x1;
	s10 =	sld [smem:$0x3FB8];
	_ =	sdelay $0x3  }
0x34: {  	[smem:$0x3FB8] =	sst s10  }
0x35: {  	s10 =	sld [smem:$0x3FB7];
	_ =	sdelay $0x3  }
0x36: {  	p1 =	seq.s32 s10, $0x1;
	s10 =	sld [smem:$0x3FB8];
	_ =	sdelay $0x3  }
0x37: {  	[smem:$0x3FB8] =	sst s10  }
0x38: {  	s10 =	sld [smem:$0x3FB9]  }
0x39: {  	_ = 	snop;
	(pc) =	sbr.ind lr, $3  }
0x3a: {  	_ = 	snop  }
0x3b: {  	_ = 	snop  }
0x3c: {  	p2 =	seq.s32 s10, $0x1;
	s10 =	sld [smem:$0x3FB8]  }
0x3d: {  	_ =	shalt  }
0x3e: {  	_ =	shalt  }
0x3f: {  	_ =	shalt  }
0x40: {  	_ =	shalt  }
0x41: {  	_ =	shalt  }
0x42: {  	_ =	shalt  }
0x43: {  	_ =	shalt  }
0x44: {  	_ =	shalt  }
0x45: {  	_ =	shalt  }
0x46: {  	_ =	shalt  }
0x47: {  	_ =	shalt  }
0x48: {  	_ =	shalt  }
0x49: {  	_ =	shalt  }
0x4a: {  	_ =	shalt  }
0x4b: {  	_ =	shalt  }
0x4c: {  	_ =	shalt  }
0x4d: {  	_ =	shalt  }
0x4e: {  	_ =	shalt  }
0x4f: {  	_ =	shalt  }
0x50: {  	_ =	shalt  }
0x51: {  	_ =	shalt  }
0x52: {  	_ =	shalt  }
0x53: {  	_ =	shalt  }
0x54: {  	_ =	shalt  }
0x55: {  	_ =	shalt  }
0x56: {  	_ =	shalt  }
0x57: {  	_ =	shalt  }
0x58: {  	_ =	shalt  }
0x59: {  	_ =	shalt  }
0x5a: {  	_ =	shalt  }
0x5b: {  	_ =	shalt  }
0x5c: {  	_ =	shalt  }
0x5d: {  	_ =	shalt  }
0x5e: {  	_ =	shalt  }
0x5f: {  	_ =	shalt  }
0x60: {  	_ =	shalt  }
0x61: {  	_ =	shalt  }
0x62: {  	_ =	shalt  }
0x63: {  	_ =	shalt  }
0x64: {  	_ =	shalt  }
0x65: {  	_ =	shalt  }
0x66: {  	_ =	shalt  }
0x67: {  	_ =	shalt  }
0x68: {  	_ =	shalt  }
0x69: {  	_ =	shalt  }
0x6a: {  	_ =	shalt  }
0x6b: {  	_ =	shalt  }
0x6c: {  	_ =	shalt  }
0x6d: {  	_ =	shalt  }
0x6e: {  	_ =	shalt  }
0x6f: {  	_ =	shalt  }
0x70: {  	_ =	shalt  }
0x71: {  	_ =	shalt  }
0x72: {  	_ =	shalt  }
0x73: {  	_ =	shalt  }
0x74: {  	_ =	shalt  }
0x75: {  	_ =	shalt  }
0x76: {  	_ =	shalt  }
0x77: {  	_ =	shalt  }
0x78: {  	_ =	shalt  }
0x79: {  	_ =	shalt  }
0x7a: {  	_ =	shalt  }
0x7b: {  	_ =	shalt  }
0x7c: {  	_ =	shalt  }
0x7d: {  	_ =	shalt  }
0x7e: {  	_ =	shalt  }
0x7f: {  	_ =	shalt  }
0x80: {  	_ =	shalt  }
0x81: {  	_ =	shalt  }
0x82: {  	_ =	shalt  }
0x83: {  	_ =	shalt  }
0x84: {  	_ =	shalt  }
0x85: {  	_ =	shalt  }
0x86: {  	_ =	shalt  }
0x87: {  	_ =	shalt  }
.Lfunc_end0:
.L_simem_size_0:
called_computation_lowered:
.L_overlay_start_0:
0x88: {  	s2 =	sld [smem:$0x3FD9]  }
0x89: {  	s3 =	sld [smem:$0x3FFE];
	_ =	sdelay $0x1  }
0x8a: {  	s1 =	srdreg.scid  }
0x8b: {  	s0 =	sand.u32 $0x1, s1  }
0x8c: {  	s17 =	sshll.u32 s0, $0xA;
	s2 =	sadd.s32 s3, s2  }
0x8d: {  	s2 =	sadd.s32 s2, s17  }
0x8e: {  	[smem:$0x3FC4] =	sst s2  }
0x8f: {  	_ = 	snop  }
0x90: {  	s2 =	sld [smem:$0x3FC8]  }
0x91: {  	s18 =	sld [smem:$0x3FD0];
	(tm) =	ssettm $0x1  }
0x92: {  	s4 =	sld [smem:$0x3FFB];
	_ =	sdelay $0x3  }
0x93: {  	_ =	strace s4  }
0x94: {  	s4 =	sld [smem:$0x3FFC];
	_ =	sdelay $0x3  }
0x95: {  	_ =	strace s4  }
0x96: {  	s4 =	sld [smem:$0x3FFD];
	_ =	sdelay $0x3  }
0x97: {  	_ =	strace s4  }
0x98: {  	_ =	strace $0x8FFFFFFF  }
0x99: {  	s19 =	sld [smem:$0x3FDB];
	_ =	sdelay $0x1  }
0x9a: {  	s5 =	simm.s32 $_scs_section_size  }
0x9b: {  	s6 =	simm.s32 $_size__tile_overlayer_lowered;
	s7 =	simm.s32 $_tile_overlayer_lowered  }
0x9c: {  	s22 =	simm.s32 $0x1BFF;
	s21 =	sshll.u32 s7, $0x1;
	s4 =	sadd.s32 s5, s19  }
0x9d: {  	s8 =	simm.s32 $0x0;
	s20 =	sshll.u32 s6, $0x1;
	s6 =	sadd.s32 s21, s4  }
0x9e: {  	[timem:s8], [sflag:s22] =	dma.local [hbm:s6], s20  }
0x9f: {  	_ =	swait.ge [sflag:s22], s20  }
0xa0: {  	s5 =	ssub.s32 $0x0, s20;
	[sflag:s22] =	ssyncset.done $0x0  }
0xa1: {  	[sflag:s22] =	ssyncadd.s32 s5;
	_ =	sdelay $0x1  }
0xa2: {  	s23 =	simm.s32 $0x1B8B  }
0xa3: {  	_ =	swait.ge [sflag:s23], $0x1  }
0xa4: {  	[sflag:s23] =	ssyncset.done $0x0  }
0xa5: {  	s25 =	simm.s32 $0x1B8E;
	s24 =	sld [smem:$0x3FFE];
	[sflag:s23] =	ssyncadd.s32 $0xFFFFFFFF  }
0xa6: {  	s26 =	simm.s32 $execute0_lowered;
	[smem:$0x3FD2] =	sst s25  }
0xa7: {  	s6 =	sshll.u32 s26, $0x1;
	_ =	strace $0x80000046;
	[dreg:$0x1] =	wrdreg $0xFFFFFFFF  }
0xa8: {  	s28 =	simm.s32 $_size_execute0_lowered;
	s4 =	sadd.s32 s4, s6;
	[dreg:$0x0] =	wrdreg $0x0  }
0xa9: {  	s6 =	sshll.u32 s28, $0x1;
	[dreg:$0x2] =	wrdreg s4  }
0xaa: {  	[dreg:$0x3] =	wrdreg s6  }
0xab: {  	[dreg:$0x4] =	wrdreg $0xC0  }
0xac: {  	_ =	task [dreg:s8], $0x5FFFF  }
0xad: {  	[dreg:$0x1] =	wrdreg $0xFFFFFFFF  }
0xae: {  	[dreg:$0x0] =	wrdreg $0x60  }
0xaf: {  	[dreg:$0x2] =	wrdreg s2  }
0xb0: {  	[dreg:$0x3] =	wrdreg s18  }
0xb1: {  	[dreg:$0x4] =	wrdreg s24  }
0xb2: {  	[dreg:$0x5] =	wrdreg $0x9  }
0xb3: {  	_ =	task.clear_ibuf [dreg:s8], $0x6FFFF;
	_ =	strace $0x90000046  }
0xb4: {  	s29 =	simm.s32 $0x9;
	_ =	strace $0x80000048  }
0xb5: {  	_ =	swait.ge [sflag:s29], $0x1  }
0xb6: {  	[sflag:s29] =	ssyncadd.s32 $0xFFFFFFFF  }
0xb7: {  	_ =	strace $0x90000048  }
0xb8: {  	_ =	sfence  }
0xb9: {  	s30 =	sld [smem:$0x0];
	_ =	sdelay $0x2  }
0xba: {  	s31 =	sshll.u32 s1, $0xD;
	s1 =	sshrl.u32 s1, $0x2  }
0xbb: {  	s3 =	sand.u32 $0x4000, s31;
	s1 =	sadd.s32 s1, s30  }
0xbc: {  	s0 =	sor.u32 s3, s0;
	s1 =	sshll.u32 s1, $0x11  }
0xbd: {  	s0 =	sor.u32 s1, s0  }
0xbe: {  	s0 =	sadd.s32 $0x8F2B, s0  }
0xbf: {  	[sflag:s0] =	ssyncadd.remote.s32 $0x1  }
0xc0: {  	_ =	sfence.sel $0xFFFF  }
0xc1: {  	[dreg:$0x0] =	wrdreg $0xFFFFFFFF;
	(pc) =	sbr.abs _section_cstart, $3  }
0xc2: {  	[dreg:$0x1] =	wrdreg $0xFFFFFFFF  }
0xc3: {  	_ =	task.clear_ibuf [dreg:s8], $0x2FFFF;
	_ =	strace $0x9FFFFFFF  }
0xc4: {  	(tm) =	ssettm $0x7FFFFFFF  }
0xc5: {  	_ =	shalt  }
tec
execute0_lowered:
.L_overlay_start_1:
0x0: {  	(tag) =	ssettag $0x1  }
0x1: {  	s1 =	rddreg [dreg:$0x0]  }
0x2: {  	s3 =	rddreg [dreg:$0x1];
	s2 =	srdreg.scid  }
0x3: {  	s0 =	stileid.u32;
	s9 =	rddreg [dreg:$0x2];
	s4 =	simm.s32 $0x0  }
0x4: {  	s13 =	simm.s32 $0x4000;
	s6 =	sand.u32 $0x1, s2;
	s5 =	sshll.u32 s0, $0x1  }
0x5: {  	s16 =	simm.s32 $0x5;
	s2 =	rddreg [dreg:$0x3];
	s15 =	sor.u32 s6, s5  }
0x6: {  	s17 =	simm.s32 $0x0;
	[smem:$0x7FF] =	sst s4;
	s5 =	smul.u32 $0x9F, s15  }
0x7: {  	_ =	strace $0x80000047;
	s7 =	ssub.s32 $0x2, s6;
	s6 =	sadd.s32 $0xE00, s9  }
0x8: {  	s8 =	sshrl.u32 s7, $0x1;
	s11 =	smul.u32 $0x13E00, s15;
	s10 =	smin.u32 s5, $0x1337  }
.Ltmp0:
0x9: {  	s12 =	ssub.s32 s7, s8;
	s7 =	sadd.s32 $0x9F, s10;
	(pc) =	sbr.rel .LBB2_1-.Ltmp0, $4  }
0xa: {  	v0 =	vlaneseq.u32;
	v9 =	vimm.s32 $0x0;
	vm0 =	vcmask $0x300;
	s9 =	sadd.s32 $0x9EBE00, s9;
	p2 =	sne.s32 s15, $0x1F;
	s14 =	ssub.s32 s7, s5  }
0xb: {  	v1 =	vmul.u32 $0x20, v0;
	v2 =	vor.u32 $0x10, v0;
	v3 =	vor.u32 $0x20, v0;
	s15 =	simm.s32 $0x10000;
	s8 =	sadd.s32 s1, s11;
	p0 =	slt.s32 s14, $0x1  }
0xc: {  	v4 =	vor.u32 $0x30, v0;
	v5 =	vor.u32 $0x40, v0;
	v6 =	vor.u32 $0x50, v0;
	s11 =	simm.s32 $0x8000;
	s10 =	smax.u32 s12, $0x1;
	p1 =	seq.s32 @!p0 s14, $0x1  }
0xd: {  	v7 =	vor.u32 $0x60, v0;
	v8 =	vor.u32 $0x70, v0;
	v9 =	vsel vm0, $0xA, v9;
	s12 =	simm.s32 $0x2;
	s14 =	simm.s32 $0xC000;
	p1 =	por p1, p0  }
.LBB2_19:
0xe: {  	s17 =	sadd.s32 $0x1, s17  }
0xf: {  	p3 =	sne.s32 s17, s10  }
.Ltmp1:
0x10: {  	_ = 	snop;
	(pc) =	sbr.rel @!p3 .LBB2_20-.Ltmp1, $1  }
0x11: {  	_ =	sdelay $0x3  }
.LBB2_1:
0x12: {  	s18 =	simm.s32 @!p0 $0x1000;
	s19 =	simm.s32 @!p0 $0x13D6400;
	s20 =	simm.s32 @!p0 $0x0  }
0x13: {  	[tilespmem:s20], [sflag:$0x1] =	stream.strided.gather @!p0 [hbm4b:s8+s18], $0x4000, s19, s18, $0x38;
	[tilespmem:$0x12000] =	vst v63  }
.Ltmp2:
0x14: {  	_ = 	snop;
	(pc) =	sbr.rel .LBB2_2-.Ltmp2, $4  }
0x15: {  	s18 =	simm.s32 @!p0 $0x1  }
0x16: {  	_ =	swait.ge @!p0 [sflag:s18], $0x4000  }
0x17: {  	[sflag:s18] =	ssyncset.done @!p0 $0x0  }
0x18: {  	[sflag:s18] =	ssyncadd.s32 @!p0 $0xFFFFC000;
	s18 =	simm.s32 $0x0  }
.LBB2_14:
0x19: {  	s18 =	sadd.s32 $0x1, s18  }
0x1a: {  	p3 =	sne.s32 s18, $0x50  }
.Ltmp3:
0x1b: {  	_ = 	snop;
	(pc) =	sbr.rel @!p3 .LBB2_15-.Ltmp3, $1  }
0x1c: {  	_ =	sdelay $0x3  }
.LBB2_2:
0x1d: {  	s19 =	sshll.u32 s18, $0x1  }
0x1e: {  	s19 =	sadd.s32 s5, s19  }
0x1f: {  	p4 =	sge.u32 s19, s7  }
.Ltmp4:
0x20: {  	_ = 	snop;
	(pc) =	sbr.rel @p4 .LBB2_8-.Ltmp4, $2  }
0x21: {  	_ =	sdelay $0x2  }
0x22: {  	p3 =	seq.s32 s18, $0x0  }
0x23: {  	s20 =	sadd.s32 $0x1, s19  }
0x24: {  	s21 =	simm.s32 @!p3 $0x1;
	p4 =	sge.u32 s20, s7  }
0x25: {  	_ =	swait.ge @!p3 [sflag:s21], $0x4000;
	s20 =	sshll.u32 @!p4 s20, $0x9;
	s22 =	simm.s32 @!p4 $0x13D6400  }
0x26: {  	[sflag:s21] =	ssyncset.done @!p3 $0x0;
	s23 =	simm.s32 @!p4 $0x4000;
	s20 =	sand.u32 @!p4 $0x1FFFFE00, s20  }
0x27: {  	[sflag:s21] =	ssyncadd.s32 @!p3 $0xFFFFC000;
	s21 =	simm.s32 @!p4 $0x1000;
	s20 =	sadd.s32 @!p4 s1, s20  }
0x28: {  	[tilespmem:s23], [sflag:$0x2] =	stream.strided.gather @!p4 [hbm4b:s20+s21], $0x4000, s22, s21, $0x38;
	[tilespmem:$0x12000] =	vst v63  }
0x29: {  	s20 =	simm.s32 $0x0  }
.LBB2_4:
0x2a: {  	v10 =	vadd.s32 s20, v0  }
0x2b: {  	s21 =	simm.s32 $0x70;
	s22 =	simm.s32 $0x0;
	s23 =	simm.s32 $0x10;
	v11 =	vshll.u32 v10, $0x9;
	v12 =	vshll.u32 v10, $0x7;
	v10 =	vand.u32 $0x1F, v10  }
0x2c: {  	s24 =	simm.s32 $0x40;
	s25 =	simm.s32 $0x50;
	s26 =	simm.s32 $0x60;
	v20 =	vmov s21;
	v21 =	vmov s22;
	v22 =	vmov s23  }
0x2d: {  	v25 =	vmov s24;
	v26 =	vmov s25;
	v27 =	vmov s26  }
0x2e: {  	s22 =	simm.s32 $0x20;
	v13 =	vand.u32 $0x3000, v11;
	v11 =	vand.u32 $0x380, v12;
	v10 =	vor.u32 v1, v10  }
0x2f: {  	s23 =	simm.s32 $0x30;
	v20 =	vshrl.u32 v20, $0x7;
	v21 =	vshrl.u32 v21, $0x7;
	v23 =	vmov s22  }
0x30: {  	v24 =	vmov s23;
	v22 =	vshrl.u32 v22, $0x7;
	v25 =	vshrl.u32 v25, $0x7  }
0x31: {  	v26 =	vshrl.u32 v26, $0x7;
	v27 =	vshrl.u32 v27, $0x7;
	v19 =	vor.u32 v11, v13  }
0x32: {  	v12 =	vor.u32 v0, v13;
	v21 =	vshll.u32 v21, v9;
	v23 =	vshrl.u32 v23, $0x7  }
0x33: {  	v24 =	vshrl.u32 v24, $0x7;
	v22 =	vshll.u32 v22, v9;
	v25 =	vshll.u32 v25, v9  }
0x34: {  	s28 =	simm.s32 $0x0;
	s29 =	simm.s32 $0x200;
	v26 =	vshll.u32 v26, v9;
	v27 =	vshll.u32 v27, v9;
	v21 =	vbroadcast v21, $0x0  }
0x35: {  	v20 =	vshll.u32 v20, v9;
	v31 =	vor.u32 s28, v10;
	v29 =	vor.u32 s29, v10  }
0x36: {  	v13 =	vor.u32 v2, v19;
	v14 =	vor.u32 v3, v19;
	v21 =	vor.u32 v21, v12  }
0x37: {  	v15 =	vor.u32 v4, v19;
	v16 =	vor.u32 v5, v19;
	v21 =	vor.u32 v11, v21  }
0x38: {  	v17 =	vor.u32 v6, v19;
	v23 =	vshll.u32 v23, v9;
	v22 =	vbroadcast v22, $0x0  }
0x39: {  	v18 =	vor.u32 v7, v19;
	v24 =	vshll.u32 v24, v9;
	v23 =	vbroadcast v23, $0x0  }
0x3a: {  	v19 =	vor.u32 v8, v19;
	v24 =	vbroadcast v24, $0x0;
	v34 =	vadd.s32 v13, v22  }
0x3b: {  	v20 =	vbroadcast v20, $0x0;
	v22 =	vbroadcast v25, $0x0;
	v32 =	vadd.s32 v14, v23  }
0x3c: {  	s26 =	simm.s32 $0xC00;
	v25 =	vbroadcast v26, $0x0;
	v23 =	vbroadcast v27, $0x0;
	v33 =	vadd.s32 v15, v24;
	v30 =	vld.idx.msk [tilespmem:v21+s4+$0x0], $0xffff  }
0x3d: {  	s30 =	simm.s32 $0x400;
	s31 =	simm.s32 $0x600;
	v24 =	vadd.s32 v19, v20;
	v20 =	vor.u32 s26, v10;
	v27 =	vadd.s32 v16, v22  }
0x3e: {  	s24 =	simm.s32 $0x800;
	s25 =	simm.s32 $0xA00;
	v28 =	vadd.s32 v17, v25;
	v25 =	vor.u32 s30, v10;
	v22 =	vor.u32 s31, v10  }
0x3f: {  	s21 =	simm.s32 $0xE00;
	s22 =	simm.s32 $0x0;
	s23 =	simm.s32 $0xF0;
	v26 =	vadd.s32 v18, v23;
	v23 =	vor.u32 s24, v10;
	v34 =	vld.idx.msk [tilespmem:v34+s4+$0x0], $0xffff;
	v21 =	vor.u32 s25, v10  }
.LBB2_5:
0x40: {  	s24 =	sadd.s32 $0xFFFFFF90, s23;
	s25 =	sadd.s32 $0xFFFFFFA0, s23;
	v35 =	vmov s23;
	s22 =	sadd.s32 $0x8, s22;
	v32 =	vld.idx.msk [tilespmem:v32+s4+$0x0], $0xffff;
	v36 =	vor.u32 s21, v10  }
0x41: {  	v37 =	vmov s24;
	v38 =	vmov s25;
	s24 =	sadd.s32 $0xFFFFFFB0, s23;
	s25 =	sadd.s32 $0xFFFFFFC0, s23;
	v35 =	vshrl.u32 v35, $0x7;
	p4 =	slt.u32 s22, $0x18;
	[tilespmem:v31+s11+$0x0] =	vst.idx.msk $0xffff, v30;
	v30 =	vld.idx.msk [tilespmem:v33+s4+$0x0], $0xffff  }
0x42: {  	s26 =	sadd.s32 $0xFFFFFFF0, s23;
	v31 =	vshrl.u32 v37, $0x7;
	v33 =	vmov s24;
	v37 =	vmov s25;
	s24 =	sadd.s32 $0xFFFFFFD0, s23;
	s25 =	sadd.s32 $0xFFFFFFE0, s23;
	v27 =	vld.idx.msk [tilespmem:v27+s4+$0x0], $0xffff  }
0x43: {  	v31 =	vshll.u32 v31, v9;
	v39 =	vmov s24;
	v40 =	vmov s25;
	v28 =	vld.idx.msk [tilespmem:v28+s4+$0x0], $0xffff  }
0x44: {  	v41 =	vmov s26;
	v38 =	vshrl.u32 v38, $0x7;
	v31 =	vbroadcast v31, $0x0;
	v26 =	vld.idx.msk [tilespmem:v26+s4+$0x0], $0xffff  }
0x45: {  	v33 =	vshrl.u32 v33, $0x7;
	v37 =	vshrl.u32 v37, $0x7;
	v39 =	vshrl.u32 v39, $0x7;
	[tilespmem:v29+s11+$0x0] =	vst.idx.msk $0xffff, v34;
	v24 =	vld.idx.msk [tilespmem:v24+s4+$0x0], $0xffff  }
0x46: {  	v34 =	vshrl.u32 v41, $0x7;
	v29 =	vor.u32 v31, v12;
	v31 =	vshrl.u32 v40, $0x7;
	[tilespmem:v25+s11+$0x0] =	vst.idx.msk $0xffff, v32  }
0x47: {  	v32 =	vshll.u32 v33, v9;
	v25 =	vor.u32 v11, v29;
	v29 =	vshll.u32 v38, v9  }
0x48: {  	v33 =	vshll.u32 v37, v9;
	v37 =	vshll.u32 v39, v9;
	v31 =	vshll.u32 v31, v9  }
0x49: {  	v35 =	vshll.u32 v35, v9;
	v34 =	vshll.u32 v34, v9;
	v29 =	vbroadcast v29, $0x0;
	[tilespmem:v22+s11+$0x0] =	vst.idx.msk $0xffff, v30  }
0x4a: {  	s21 =	sadd.s32 $0x1000, s21;
	v33 =	vbroadcast v33, $0x0;
	v22 =	vbroadcast v32, $0x0;
	[tilespmem:v23+s11+$0x0] =	vst.idx.msk $0xffff, v27  }
0x4b: {  	s26 =	sadd.s32 $0xFFFFF600, s21;
	v23 =	vadd.s32 v13, v29;
	v27 =	vbroadcast v37, $0x0;
	v29 =	vbroadcast v31, $0x0;
	[tilespmem:v21+s11+$0x0] =	vst.idx.msk $0xffff, v28  }
.Ltmp5:
0x4c: {  	s24 =	sadd.s32 $0xFFFFF200, s21;
	s25 =	sadd.s32 $0xFFFFF400, s21;
	v32 =	vadd.s32 v14, v22;
	v21 =	vbroadcast v34, $0x0;
	v22 =	vbroadcast v35, $0x0;
	v30 =	vld.idx.msk [tilespmem:v25+s4+$0x0], $0xffff;
	[tilespmem:v20+s11+$0x0] =	vst.idx.msk $0xffff, v26;
	(pc) =	sbr.rel @p4 .LBB2_5-.Ltmp5, $4  }
0x4d: {  	s28 =	sadd.s32 $0xFFFFFA00, s21;
	s29 =	sadd.s32 $0xFFFFFC00, s21;
	v33 =	vadd.s32 v15, v33;
	v31 =	vor.u32 s24, v10;
	s24 =	sadd.s32 $0xFFFFF800, s21;
	v27 =	vadd.s32 v16, v27;
	[tilespmem:v36+s11+$0x0] =	vst.idx.msk $0xffff, v24  }
0x4e: {  	s30 =	sadd.s32 $0xFFFFFE00, s21;
	v28 =	vadd.s32 v17, v29;
	v26 =	vadd.s32 v18, v21;
	v24 =	vadd.s32 v19, v22  }
0x4f: {  	v29 =	vor.u32 s25, v10;
	v25 =	vor.u32 s26, v10;
	v22 =	vor.u32 s24, v10  }
0x50: {  	s23 =	sadd.s32 $0x80, s23;
	v20 =	vor.u32 s30, v10;
	v21 =	vor.u32 s29, v10;
	v34 =	vld.idx.msk [tilespmem:v23+s4+$0x0], $0xffff;
	v23 =	vor.u32 s28, v10  }
0x51: {  	_ =	sdelay $0x3  }
0x52: {  	v11 =	vld.idx.msk [tilespmem:v32+s4+$0x0], $0xffff  }
0x53: {  	v12 =	vld.idx.msk [tilespmem:v33+s4+$0x0], $0xffff  }
0x54: {  	v13 =	vld.idx.msk [tilespmem:v27+s4+$0x0], $0xffff  }
0x55: {  	[tilespmem:v31+s11+$0x0] =	vst.idx.msk $0xffff, v30;
	v14 =	vld.idx.msk [tilespmem:v28+s4+$0x0], $0xffff  }
0x56: {  	v15 =	vld.idx.msk [tilespmem:v26+s4+$0x0], $0xffff;
	s20 =	sadd.s32 $0x1, s20;
	[tilespmem:v29+s11+$0x0] =	vst.idx.msk $0xffff, v34  }
0x57: {  	v10 =	vor.u32 s21, v10;
	v16 =	vld.idx.msk [tilespmem:v24+s4+$0x0], $0xffff;
	p4 =	sne.s32 s20, $0x20;
	[tilespmem:v25+s11+$0x0] =	vst.idx.msk $0xffff, v11  }
.Ltmp6:
0x58: {  	[tilespmem:v22+s11+$0x0] =	vst.idx.msk $0xffff, v12;
	(pc) =	sbr.rel @p4 .LBB2_4-.Ltmp6, $4  }
0x59: {  	[tilespmem:v23+s11+$0x0] =	vst.idx.msk $0xffff, v13  }
0x5a: {  	[tilespmem:v21+s11+$0x0] =	vst.idx.msk $0xffff, v14  }
0x5b: {  	[tilespmem:v20+s11+$0x0] =	vst.idx.msk $0xffff, v15  }
0x5c: {  	[tilespmem:v10+s11+$0x0] =	vst.idx.msk $0xffff, v16  }
0x5d: {  	s20 =	simm.s32 @!p3 $0x3  }
0x5e: {  	_ =	swait.ge @!p3 [sflag:s20], $0x4000  }
0x5f: {  	s19 =	sshll.u32 s19, $0xB;
	[sflag:s20] =	ssyncset.done @!p3 $0x0  }
0x60: {  	s19 =	sadd.s32 s6, s19;
	[sflag:s20] =	ssyncadd.s32 @!p3 $0xFFFFC000  }
0x61: {  	[hbm4b:s19+s4] =	stream.linear.scatter [tilespmem:s11], [sflag:$0x3], $0x4000, $0x38;
	[tilespmem:$0x12000] =	vst v63  }
.LBB2_8:
0x62: {  	s19 =	sshllo.u32 s18, $0x1  }
0x63: {  	s19 =	sadd.s32 s5, s19  }
0x64: {  	p4 =	sge.u32 s19, s7  }
.Ltmp7:
0x65: {  	_ = 	snop;
	(pc) =	sbr.rel @p4 .LBB2_14-.Ltmp7, $1  }
0x66: {  	_ =	sdelay $0x3  }
0x67: {  	s20 =	sadd.s32 $0x1, s19  }
0x68: {  	_ =	swait.ge [sflag:s12], $0x4000;
	p4 =	sge.u32 s20, s7  }
0x69: {  	[sflag:s12] =	ssyncset.done $0x0;
	s20 =	sshll.u32 @!p4 s20, $0x9  }
0x6a: {  	[sflag:s12] =	ssyncadd.s32 $0xFFFFC000;
	s21 =	simm.s32 @!p4 $0x1000;
	s20 =	sand.u32 @!p4 $0x1FFFFE00, s20  }
0x6b: {  	s22 =	simm.s32 @!p4 $0x13D6400;
	s23 =	simm.s32 @!p4 $0x0;
	s20 =	sadd.s32 @!p4 s1, s20  }
0x6c: {  	[tilespmem:s23], [sflag:$0x1] =	stream.strided.gather @!p4 [hbm4b:s20+s21], $0x4000, s22, s21, $0x38;
	[tilespmem:$0x12000] =	vst v63  }
0x6d: {  	s20 =	simm.s32 $0x0  }
.LBB2_10:
0x6e: {  	v10 =	vadd.s32 s20, v0  }
0x6f: {  	s21 =	simm.s32 $0x70;
	s22 =	simm.s32 $0x0;
	s23 =	simm.s32 $0x10;
	v11 =	vshll.u32 v10, $0x9;
	v12 =	vshll.u32 v10, $0x7;
	v10 =	vand.u32 $0x1F, v10  }
0x70: {  	s24 =	simm.s32 $0x40;
	s25 =	simm.s32 $0x50;
	s26 =	simm.s32 $0x60;
	v20 =	vmov s21;
	v21 =	vmov s22;
	v22 =	vmov s23  }
0x71: {  	v25 =	vmov s24;
	v26 =	vmov s25;
	v27 =	vmov s26  }
0x72: {  	s22 =	simm.s32 $0x20;
	v13 =	vand.u32 $0x3000, v11;
	v11 =	vand.u32 $0x380, v12;
	v10 =	vor.u32 v1, v10  }
0x73: {  	s23 =	simm.s32 $0x30;
	v20 =	vshrl.u32 v20, $0x7;
	v21 =	vshrl.u32 v21, $0x7;
	v23 =	vmov s22  }
0x74: {  	v24 =	vmov s23;
	v22 =	vshrl.u32 v22, $0x7;
	v25 =	vshrl.u32 v25, $0x7  }
0x75: {  	v26 =	vshrl.u32 v26, $0x7;
	v27 =	vshrl.u32 v27, $0x7;
	v19 =	vor.u32 v11, v13  }
0x76: {  	v12 =	vor.u32 v0, v13;
	v21 =	vshll.u32 v21, v9;
	v23 =	vshrl.u32 v23, $0x7  }
0x77: {  	v24 =	vshrl.u32 v24, $0x7;
	v22 =	vshll.u32 v22, v9;
	v25 =	vshll.u32 v25, v9  }
0x78: {  	s28 =	simm.s32 $0x0;
	s29 =	simm.s32 $0x200;
	v26 =	vshll.u32 v26, v9;
	v27 =	vshll.u32 v27, v9;
	v21 =	vbroadcast v21, $0x0  }
0x79: {  	v20 =	vshll.u32 v20, v9;
	v31 =	vor.u32 s28, v10;
	v29 =	vor.u32 s29, v10  }
0x7a: {  	v13 =	vor.u32 v2, v19;
	v14 =	vor.u32 v3, v19;
	v21 =	vor.u32 v21, v12  }
0x7b: {  	v15 =	vor.u32 v4, v19;
	v16 =	vor.u32 v5, v19;
	v21 =	vor.u32 v11, v21  }
0x7c: {  	v17 =	vor.u32 v6, v19;
	v23 =	vshll.u32 v23, v9;
	v22 =	vbroadcast v22, $0x0  }
0x7d: {  	v18 =	vor.u32 v7, v19;
	v24 =	vshll.u32 v24, v9;
	v23 =	vbroadcast v23, $0x0  }
0x7e: {  	v19 =	vor.u32 v8, v19;
	v24 =	vbroadcast v24, $0x0;
	v34 =	vadd.s32 v13, v22  }
0x7f: {  	v20 =	vbroadcast v20, $0x0;
	v22 =	vbroadcast v25, $0x0;
	v32 =	vadd.s32 v14, v23  }
0x80: {  	s26 =	simm.s32 $0xC00;
	v25 =	vbroadcast v26, $0x0;
	v23 =	vbroadcast v27, $0x0;
	v33 =	vadd.s32 v15, v24;
	v30 =	vld.idx.msk [tilespmem:v21+s13+$0x0], $0xffff  }
0x81: {  	s30 =	simm.s32 $0x400;
	s31 =	simm.s32 $0x600;
	v24 =	vadd.s32 v19, v20;
	v20 =	vor.u32 s26, v10;
	v27 =	vadd.s32 v16, v22  }
0x82: {  	s24 =	simm.s32 $0x800;
	s25 =	simm.s32 $0xA00;
	v28 =	vadd.s32 v17, v25;
	v25 =	vor.u32 s30, v10;
	v22 =	vor.u32 s31, v10  }
0x83: {  	s21 =	simm.s32 $0xE00;
	s22 =	simm.s32 $0x0;
	s23 =	simm.s32 $0xF0;
	v26 =	vadd.s32 v18, v23;
	v23 =	vor.u32 s24, v10;
	v34 =	vld.idx.msk [tilespmem:v34+s13+$0x0], $0xffff;
	v21 =	vor.u32 s25, v10  }
.LBB2_11:
0x84: {  	s24 =	sadd.s32 $0xFFFFFF90, s23;
	s25 =	sadd.s32 $0xFFFFFFA0, s23;
	v35 =	vmov s23;
	s22 =	sadd.s32 $0x8, s22;
	v32 =	vld.idx.msk [tilespmem:v32+s13+$0x0], $0xffff;
	v36 =	vor.u32 s21, v10  }
0x85: {  	v37 =	vmov s24;
	v38 =	vmov s25;
	s24 =	sadd.s32 $0xFFFFFFB0, s23;
	s25 =	sadd.s32 $0xFFFFFFC0, s23;
	v35 =	vshrl.u32 v35, $0x7;
	p4 =	slt.u32 s22, $0x18;
	[tilespmem:v31+s14+$0x0] =	vst.idx.msk $0xffff, v30;
	v30 =	vld.idx.msk [tilespmem:v33+s13+$0x0], $0xffff  }
0x86: {  	s26 =	sadd.s32 $0xFFFFFFF0, s23;
	v31 =	vshrl.u32 v37, $0x7;
	v33 =	vmov s24;
	v37 =	vmov s25;
	s24 =	sadd.s32 $0xFFFFFFD0, s23;
	s25 =	sadd.s32 $0xFFFFFFE0, s23;
	v27 =	vld.idx.msk [tilespmem:v27+s13+$0x0], $0xffff  }
0x87: {  	v31 =	vshll.u32 v31, v9;
	v39 =	vmov s24;
	v40 =	vmov s25;
	v28 =	vld.idx.msk [tilespmem:v28+s13+$0x0], $0xffff  }
0x88: {  	v41 =	vmov s26;
	v38 =	vshrl.u32 v38, $0x7;
	v31 =	vbroadcast v31, $0x0;
	v26 =	vld.idx.msk [tilespmem:v26+s13+$0x0], $0xffff  }
0x89: {  	v33 =	vshrl.u32 v33, $0x7;
	v37 =	vshrl.u32 v37, $0x7;
	v39 =	vshrl.u32 v39, $0x7;
	[tilespmem:v29+s14+$0x0] =	vst.idx.msk $0xffff, v34;
	v24 =	vld.idx.msk [tilespmem:v24+s13+$0x0], $0xffff  }
0x8a: {  	v34 =	vshrl.u32 v41, $0x7;
	v29 =	vor.u32 v31, v12;
	v31 =	vshrl.u32 v40, $0x7;
	[tilespmem:v25+s14+$0x0] =	vst.idx.msk $0xffff, v32  }
0x8b: {  	v32 =	vshll.u32 v33, v9;
	v25 =	vor.u32 v11, v29;
	v29 =	vshll.u32 v38, v9  }
0x8c: {  	v33 =	vshll.u32 v37, v9;
	v37 =	vshll.u32 v39, v9;
	v31 =	vshll.u32 v31, v9  }
0x8d: {  	v35 =	vshll.u32 v35, v9;
	v34 =	vshll.u32 v34, v9;
	v29 =	vbroadcast v29, $0x0;
	[tilespmem:v22+s14+$0x0] =	vst.idx.msk $0xffff, v30  }
0x8e: {  	s21 =	sadd.s32 $0x1000, s21;
	v33 =	vbroadcast v33, $0x0;
	v22 =	vbroadcast v32, $0x0;
	[tilespmem:v23+s14+$0x0] =	vst.idx.msk $0xffff, v27  }
0x8f: {  	s26 =	sadd.s32 $0xFFFFF600, s21;
	v23 =	vadd.s32 v13, v29;
	v27 =	vbroadcast v37, $0x0;
	v29 =	vbroadcast v31, $0x0;
	[tilespmem:v21+s14+$0x0] =	vst.idx.msk $0xffff, v28  }
.Ltmp8:
0x90: {  	s24 =	sadd.s32 $0xFFFFF200, s21;
	s25 =	sadd.s32 $0xFFFFF400, s21;
	v32 =	vadd.s32 v14, v22;
	v21 =	vbroadcast v34, $0x0;
	v22 =	vbroadcast v35, $0x0;
	v30 =	vld.idx.msk [tilespmem:v25+s13+$0x0], $0xffff;
	[tilespmem:v20+s14+$0x0] =	vst.idx.msk $0xffff, v26;
	(pc) =	sbr.rel @p4 .LBB2_11-.Ltmp8, $4  }
0x91: {  	s28 =	sadd.s32 $0xFFFFFA00, s21;
	s29 =	sadd.s32 $0xFFFFFC00, s21;
	v33 =	vadd.s32 v15, v33;
	v31 =	vor.u32 s24, v10;
	s24 =	sadd.s32 $0xFFFFF800, s21;
	v27 =	vadd.s32 v16, v27;
	[tilespmem:v36+s14+$0x0] =	vst.idx.msk $0xffff, v24  }
0x92: {  	s30 =	sadd.s32 $0xFFFFFE00, s21;
	v28 =	vadd.s32 v17, v29;
	v26 =	vadd.s32 v18, v21;
	v24 =	vadd.s32 v19, v22  }
0x93: {  	v29 =	vor.u32 s25, v10;
	v25 =	vor.u32 s26, v10;
	v22 =	vor.u32 s24, v10  }
0x94: {  	s23 =	sadd.s32 $0x80, s23;
	v20 =	vor.u32 s30, v10;
	v21 =	vor.u32 s29, v10;
	v34 =	vld.idx.msk [tilespmem:v23+s13+$0x0], $0xffff;
	v23 =	vor.u32 s28, v10  }
0x95: {  	_ =	sdelay $0x3  }
0x96: {  	v11 =	vld.idx.msk [tilespmem:v32+s13+$0x0], $0xffff  }
0x97: {  	v12 =	vld.idx.msk [tilespmem:v33+s13+$0x0], $0xffff  }
0x98: {  	v13 =	vld.idx.msk [tilespmem:v27+s13+$0x0], $0xffff  }
0x99: {  	[tilespmem:v31+s14+$0x0] =	vst.idx.msk $0xffff, v30;
	v14 =	vld.idx.msk [tilespmem:v28+s13+$0x0], $0xffff  }
0x9a: {  	v15 =	vld.idx.msk [tilespmem:v26+s13+$0x0], $0xffff;
	s20 =	sadd.s32 $0x1, s20;
	[tilespmem:v29+s14+$0x0] =	vst.idx.msk $0xffff, v34  }
0x9b: {  	v10 =	vor.u32 s21, v10;
	v16 =	vld.idx.msk [tilespmem:v24+s13+$0x0], $0xffff;
	p4 =	sne.s32 s20, $0x20;
	[tilespmem:v25+s14+$0x0] =	vst.idx.msk $0xffff, v11  }
.Ltmp9:
0x9c: {  	[tilespmem:v22+s14+$0x0] =	vst.idx.msk $0xffff, v12;
	(pc) =	sbr.rel @p4 .LBB2_10-.Ltmp9, $4  }
0x9d: {  	[tilespmem:v23+s14+$0x0] =	vst.idx.msk $0xffff, v13  }
0x9e: {  	[tilespmem:v21+s14+$0x0] =	vst.idx.msk $0xffff, v14  }
0x9f: {  	[tilespmem:v20+s14+$0x0] =	vst.idx.msk $0xffff, v15  }
0xa0: {  	[tilespmem:v10+s14+$0x0] =	vst.idx.msk $0xffff, v16  }
.Ltmp10:
0xa1: {  	s20 =	simm.s32 @!p3 $0x4;
	(pc) =	sbr.rel .LBB2_14-.Ltmp10, $4  }
0xa2: {  	s19 =	sshll.u32 s19, $0xB;
	_ =	swait.ge @!p3 [sflag:s20], $0x4000  }
0xa3: {  	s19 =	sand.u32 $0x1FFFF800, s19;
	[sflag:s20] =	ssyncset.done @!p3 $0x0  }
0xa4: {  	s19 =	sadd.s32 s6, s19;
	[sflag:s20] =	ssyncadd.s32 @!p3 $0xFFFFC000  }
0xa5: {  	[hbm4b:s19+s4] =	stream.linear.scatter [tilespmem:s14], [sflag:$0x4], $0x4000, $0x38;
	[tilespmem:$0x12000] =	vst v63  }
.LBB2_15:
0xa6: {  	s18 =	simm.s32 @!p0 $0x3  }
0xa7: {  	_ =	swait.ge @!p0 [sflag:s18], $0x4000  }
.Ltmp11:
0xa8: {  	[sflag:s18] =	ssyncset.done @!p0 $0x0;
	(pc) =	sbr.rel @p2 .LBB2_19-.Ltmp11, $4  }
0xa9: {  	[sflag:s18] =	ssyncadd.s32 @!p0 $0xFFFFC000;
	s18 =	simm.s32 @!p1 $0x4  }
0xaa: {  	_ =	swait.ge @!p1 [sflag:s18], $0x4000  }
0xab: {  	[sflag:s18] =	ssyncset.done @!p1 $0x0  }
0xac: {  	[sflag:s18] =	ssyncadd.s32 @!p1 $0xFFFFC000  }
0xad: {  	[tilespmem:s15], [sflag:$0x5] =	stream.linear.gather [hbm4b:s3+s4], $0x2000, $0x38;
	[tilespmem:$0x12000] =	vst v63  }
0xae: {  	_ =	swait.ge [sflag:s16], $0x2000  }
0xaf: {  	[sflag:s16] =	ssyncset.done $0x0  }
0xb0: {  	s21 =	simm.s32 $0x10100;
	[sflag:s16] =	ssyncadd.s32 $0xFFFFE000  }
0xb1: {  	v10 =	vld [tilespmem:s21+$0xFFFFFF00];
	_ =	sdelay $0x3  }
0xb2: {  	s18 =	simm.s32 $0x8040  }
0xb3: {  	[tilespmem:s18+$0xFFFFFFC0] =	vst v10  }
0xb4: {  	v10 =	vld [tilespmem:s21+$0xFFFFFF10];
	_ =	sdelay $0x4  }
0xb5: {  	[tilespmem:s18+$0xFFFFFFD0] =	vst v10  }
0xb6: {  	v10 =	vld [tilespmem:s21+$0xFFFFFF80];
	_ =	sdelay $0x4  }
0xb7: {  	[tilespmem:s18+$0xFFFFFFE0] =	vst v10  }
0xb8: {  	v10 =	vld [tilespmem:s21+$0xFFFFFF90];
	_ =	sdelay $0x2  }
0xb9: {  	s19 =	simm.s32 $0x20  }
0xba: {  	s19 =	sor.u32 $0x30, s19  }
0xbb: {  	[tilespmem:s19+$0x8000] =	vst v10  }
0xbc: {  	v10 =	vld [tilespmem:s21+$0x0];
	_ =	sdelay $0x4  }
0xbd: {  	[tilespmem:s18+$0x0] =	vst v10  }
0xbe: {  	v10 =	vld [tilespmem:s21+$0x10];
	_ =	sdelay $0x2  }
0xbf: {  	s31 =	simm.s32 $0x40  }
0xc0: {  	s19 =	sor.u32 $0x50, s31  }
0xc1: {  	[tilespmem:s19+$0x8000] =	vst v10  }
0xc2: {  	v10 =	vld [tilespmem:s21+$0x80];
	_ =	sdelay $0x4  }
0xc3: {  	[tilespmem:s18+$0x20] =	vst v10  }
0xc4: {  	v10 =	vld [tilespmem:s21+$0x90];
	_ =	sdelay $0x2  }
0xc5: {  	s19 =	simm.s32 $0x60  }
0xc6: {  	s20 =	simm.s32 $0x0;
	s22 =	sor.u32 $0x70, s19;
	s21 =	simm.s32 $0x10300  }
.LBB2_17:
0xc7: {  	s20 =	sadd.s32 $0x4, s20;
	[tilespmem:s22+$0x8000] =	vst v10;
	s19 =	sadd.s32 $0x80, s19;
	s18 =	sadd.s32 $0x80, s18  }
0xc8: {  	v10 =	vld [tilespmem:s21+$0xFFFFFF00];
	p3 =	slt.u32 s20, $0x3C;
	_ =	sdelay $0x4  }
0xc9: {  	[tilespmem:s18+$0xFFFFFFC0] =	vst v10  }
0xca: {  	v10 =	vld [tilespmem:s21+$0xFFFFFF10];
	_ =	sdelay $0x4  }
0xcb: {  	[tilespmem:s18+$0xFFFFFFD0] =	vst v10  }
0xcc: {  	v10 =	vld [tilespmem:s21+$0xFFFFFF80];
	_ =	sdelay $0x4  }
0xcd: {  	[tilespmem:s18+$0xFFFFFFE0] =	vst v10  }
0xce: {  	v10 =	vld [tilespmem:s21+$0xFFFFFF90];
	_ =	sdelay $0x2  }
0xcf: {  	s22 =	sadd.s32 $0xFFFFFFC0, s19  }
0xd0: {  	s22 =	sor.u32 $0x30, s22  }
0xd1: {  	[tilespmem:s22+$0x8000] =	vst v10  }
0xd2: {  	v10 =	vld [tilespmem:s21+$0x0];
	_ =	sdelay $0x4  }
0xd3: {  	[tilespmem:s18+$0x0] =	vst v10  }
0xd4: {  	v10 =	vld [tilespmem:s21+$0x10];
	_ =	sdelay $0x2  }
0xd5: {  	s22 =	sadd.s32 $0xFFFFFFE0, s19  }
0xd6: {  	s22 =	sor.u32 $0x50, s22  }
0xd7: {  	[tilespmem:s22+$0x8000] =	vst v10  }
0xd8: {  	v10 =	vld [tilespmem:s21+$0x80];
	_ =	sdelay $0x4  }
0xd9: {  	[tilespmem:s18+$0x20] =	vst v10  }
.Ltmp12:
0xda: {  	v10 =	vld [tilespmem:s21+$0x90];
	(pc) =	sbr.rel @p3 .LBB2_17-.Ltmp12, $2  }
0xdb: {  	_ =	sdelay $0x2  }
0xdc: {  	s22 =	sor.u32 $0x70, s19;
	s21 =	sadd.s32 $0x200, s21  }
.Ltmp13:
0xdd: {  	[tilespmem:s22+$0x8000] =	vst v10;
	(pc) =	sbr.rel .LBB2_19-.Ltmp13, $4  }
0xde: {  	[hbm4b:s9+s4] =	stream.linear.scatter [tilespmem:s11], [sflag:$0x5], $0x800, $0x38;
	[tilespmem:$0x12000] =	vst v63  }
0xdf: {  	_ =	swait.ge [sflag:s16], $0x800  }
0xe0: {  	[sflag:s16] =	ssyncset.done $0x0  }
0xe1: {  	[sflag:s16] =	ssyncadd.s32 $0xFFFFF800  }
.LBB2_20:
0xe2: {  	_ =	sfence.sel $0x180000  }
0xe3: {  	[bflag:$0x0] =	sbarrier.arrive $0xFFFF  }
0xe4: {  	p0 =	sne.s32 s0, $0x0;
	_ =	strace $0x90000047  }
0xe5: {  	s0 =	sadd.s32 @!p0 $0x100000, s2;
	[bflag:$0x2] =	sbarrier.arrive $0xFFFF  }
0xe6: {  	[sflag:s0] =	ssyncadd.tile.s32 @!p0 $0x1;
	_ =	shalt  }
.Lfunc_end2:
_tile_overlayer_lowered:
.L_overlay_start_2:
0xe7: {  	(tag) =	ssettag $0x2  }
0xe8: {  	s0 =	rddreg [dreg:$0x0];
	s2 =	stileid.u32  }
0xe9: {  	s1 =	rddreg [dreg:$0x1];
	p0 =	sne.s32 s2, $0x0  }
0xea: {  	s3 =	rddreg [dreg:$0x2];
	[bflag:$0x3] =	sbarrier.arrive $0xFFFF;
	s2 =	simm.s32 @!p0 $0x1C05  }
0xeb: {  	[timem:s3], [sflag:s2] =	dma.local @!p0 [hbm:s0], s1  }
0xec: {  	s0 =	simm.s32 @!p0 $0x5  }
0xed: {  	_ =	swait.ge @!p0 [sflag:s0], s1  }
0xee: {  	s1 =	ssub.s32 @!p0 $0x0, s1;
	[sflag:s0] =	ssyncset.done @!p0 $0x0  }
0xef: {  	[sflag:s0] =	ssyncadd.s32 @!p0 s1  }
0xf0: {  	[bflag:$0x3] =	sbarrier.arrive $0xFFFF  }
0xf1: {  	_ =	shalt  }

// kernel: kernel.7.cloned.1.call-start
scs
__scs_entry_jumppad:
0x0: {  	(pc) =	sbr.rel $0x88, $3  }
0x1: {  	(tag) =	ssettag $0x0;
	lr =	simm.s32 $0x1  }
0x2: {  	[smem:$0x3F9D] =	sst lr;
	_ =	strace $0xD0000000  }
0x3: {  	_ = 	snop  }
0x4: {  	_ = 	snop  }
0x5: {  	_ = 	snop  }
0x6: {  	_ = 	snop  }
0x7: {  	_ = 	snop  }
__scs_overlays_trampoline_lowered:
0x8: {  	[smem:$0x3FAC] =	sst s0  }
0x9: {  	[smem:$0x3FAD] =	sst s1  }
0xa: {  	[smem:$0x3FAE] =	sst s2  }
0xb: {  	[smem:$0x3FAF] =	sst s3  }
0xc: {  	[smem:$0x3FB0] =	sst s4  }
0xd: {  	[smem:$0x3FB1] =	sst s5  }
0xe: {  	[smem:$0x3FB2] =	sst s6  }
0xf: {  	[smem:$0x3FB3] =	sst s7  }
0x10: {  	[smem:$0x3FB4] =	sst s8  }
0x11: {  	[smem:$0x3FB5] =	sst s9;
	s0 =	simm.s32 @!p0 $0x0  }
0x12: {  	s1 =	sld [smem:$0x3F9B];
	s0 =	simm.s32 @p0 $0x1  }
0x13: {  	[smem:$0x3FB6] =	sst s0;
	s0 =	simm.s32 @!p1 $0x0  }
0x14: {  	s2 =	sld [smem:$0x3F9A];
	s0 =	simm.s32 @p1 $0x1  }
0x15: {  	[smem:$0x3FB7] =	sst s0;
	s0 =	simm.s32 @!p2 $0x0  }
0x16: {  	s3 =	sld [smem:$0x3FDB];
	s0 =	simm.s32 @p2 $0x1  }
0x17: {  	s4 =	simm.s32 $0x1BF5;
	[smem:$0x3FB9] =	sst s0  }
0x18: {  	s0 =	sld [smem:$0x3F9C];
	_ =	swait.ge [sflag:s4], $0x0  }
0x19: {  	s7 =	sld [smem:$0x3F9D]  }
0x1a: {  	s8 =	sadd.s32 $0xFFFFE003, lr  }
0x1b: {  	s9 =	sadd.s32 $0xFFFFFEF7, lr;
	s5 =	simm.s32 $0xFFFFFFFF;
	p2 =	slt.u32 s8, $0xFFFFF086  }
0x1c: {  	p1 =	slt.u32 s9, $0xF7A;
	s5 =	simm.s32 @!p2 $0x0  }
0x1d: {  	s5 =	simm.s32 @p1 $0x1;
	p0 =	seq.s32 s7, s2  }
0x1e: {  	s7 =	smul.u32 @!p0 $0xF7A, s2;
	p2 =	seq.s32 @!p0 s5, $0x0  }
0x1f: {  	s9 =	smul.u32 $0xF7A, s1;
	s8 =	simm.s32 @!p0 $0x1BF5;
	p2 =	por !p2, p0  }
0x20: {  	[sflag:s8] =	ssyncset.s32 @!p0 $0xFFFFF086;
	s6 =	sadd.s32 @!p0 s3, s7;
	s7 =	simm.s32 @!p0 $0x108  }
0x21: {  	s3 =	sadd.s32 s3, s9;
	s6 =	sadd.s32 @!p0 $0x88, s6;
	s7 =	simm.s32 @p2 $0x1082  }
0x22: {  	[simem:s7], [sflag:s8] =	dma.local @!p0 [hbm:s6], $0xF7A  }
0x23: {  	s9 =	sor.u32 $0xD0000000, s2;
	s6 =	simm.s32 $0x108;
	_ =	swait.ge @!p0 [sflag:s8], $0x0  }
0x24: {  	s3 =	sadd.s32 $0x88, s3;
	s6 =	simm.s32 @!p1 $0x1082;
	[sflag:s4] =	ssyncset.s32 $0xFFFFF086  }
0x25: {  	[simem:s6], [sflag:s4] =	dma.local [hbm:s3], $0xF7A  }
0x26: {  	[smem:$0x3F9D] =	sst s1;
	(tag) =	ssettag s2;
	_ =	strace s9  }
0x27: {  	s1 =	sld [smem:$0x3FAD]  }
0x28: {  	s2 =	sld [smem:$0x3FAE]  }
0x29: {  	s4 =	sld [smem:$0x3FB0]  }
0x2a: {  	p0 =	seq.s32 s5, $0x0;
	s5 =	sld [smem:$0x3FB1]  }
0x2b: {  	s6 =	sld [smem:$0x3FB2]  }
0x2c: {  	s7 =	sld [smem:$0x3FB3]  }
0x2d: {  	s3 =	simm.s32 $0x108;
	s8 =	sld [smem:$0x3FB4]  }
0x2e: {  	s3 =	simm.s32 @!p0 $0x1082;
	s9 =	sld [smem:$0x3FB5]  }
0x2f: {  	lr =	sadd.s32 s0, s3;
	s0 =	sld [smem:$0x3FAC]  }
0x30: {  	s3 =	sld [smem:$0x3FAF]  }
0x31: {  	[smem:$0x3FB8] =	sst s10  }
0x32: {  	s10 =	sld [smem:$0x3FB6];
	_ =	sdelay $0x3  }
0x33: {  	p0 =	seq.s32 s10, $0x1;
	s10 =	sld [smem:$0x3FB8];
	_ =	sdelay $0x3  }
0x34: {  	[smem:$0x3FB8] =	sst s10  }
0x35: {  	s10 =	sld [smem:$0x3FB7];
	_ =	sdelay $0x3  }
0x36: {  	p1 =	seq.s32 s10, $0x1;
	s10 =	sld [smem:$0x3FB8];
	_ =	sdelay $0x3  }
0x37: {  	[smem:$0x3FB8] =	sst s10  }
0x38: {  	s10 =	sld [smem:$0x3FB9]  }
0x39: {  	_ = 	snop;
	(pc) =	sbr.ind lr, $3  }
0x3a: {  	_ = 	snop  }
0x3b: {  	_ = 	snop  }
0x3c: {  	p2 =	seq.s32 s10, $0x1;
	s10 =	sld [smem:$0x3FB8]  }
0x3d: {  	_ =	shalt  }
0x3e: {  	_ =	shalt  }
0x3f: {  	_ =	shalt  }
0x40: {  	_ =	shalt  }
0x41: {  	_ =	shalt  }
0x42: {  	_ =	shalt  }
0x43: {  	_ =	shalt  }
0x44: {  	_ =	shalt  }
0x45: {  	_ =	shalt  }
0x46: {  	_ =	shalt  }
0x47: {  	_ =	shalt  }
0x48: {  	_ =	shalt  }
0x49: {  	_ =	shalt  }
0x4a: {  	_ =	shalt  }
0x4b: {  	_ =	shalt  }
0x4c: {  	_ =	shalt  }
0x4d: {  	_ =	shalt  }
0x4e: {  	_ =	shalt  }
0x4f: {  	_ =	shalt  }
0x50: {  	_ =	shalt  }
0x51: {  	_ =	shalt  }
0x52: {  	_ =	shalt  }
0x53: {  	_ =	shalt  }
0x54: {  	_ =	shalt  }
0x55: {  	_ =	shalt  }
0x56: {  	_ =	shalt  }
0x57: {  	_ =	shalt  }
0x58: {  	_ =	shalt  }
0x59: {  	_ =	shalt  }
0x5a: {  	_ =	shalt  }
0x5b: {  	_ =	shalt  }
0x5c: {  	_ =	shalt  }
0x5d: {  	_ =	shalt  }
0x5e: {  	_ =	shalt  }
0x5f: {  	_ =	shalt  }
0x60: {  	_ =	shalt  }
0x61: {  	_ =	shalt  }
0x62: {  	_ =	shalt  }
0x63: {  	_ =	shalt  }
0x64: {  	_ =	shalt  }
0x65: {  	_ =	shalt  }
0x66: {  	_ =	shalt  }
0x67: {  	_ =	shalt  }
0x68: {  	_ =	shalt  }
0x69: {  	_ =	shalt  }
0x6a: {  	_ =	shalt  }
0x6b: {  	_ =	shalt  }
0x6c: {  	_ =	shalt  }
0x6d: {  	_ =	shalt  }
0x6e: {  	_ =	shalt  }
0x6f: {  	_ =	shalt  }
0x70: {  	_ =	shalt  }
0x71: {  	_ =	shalt  }
0x72: {  	_ =	shalt  }
0x73: {  	_ =	shalt  }
0x74: {  	_ =	shalt  }
0x75: {  	_ =	shalt  }
0x76: {  	_ =	shalt  }
0x77: {  	_ =	shalt  }
0x78: {  	_ =	shalt  }
0x79: {  	_ =	shalt  }
0x7a: {  	_ =	shalt  }
0x7b: {  	_ =	shalt  }
0x7c: {  	_ =	shalt  }
0x7d: {  	_ =	shalt  }
0x7e: {  	_ =	shalt  }
0x7f: {  	_ =	shalt  }
0x80: {  	_ =	shalt  }
0x81: {  	_ =	shalt  }
0x82: {  	_ =	shalt  }
0x83: {  	_ =	shalt  }
0x84: {  	_ =	shalt  }
0x85: {  	_ =	shalt  }
0x86: {  	_ =	shalt  }
0x87: {  	_ =	shalt  }
.Lfunc_end0:
.L_simem_size_0:
called_computation.1_lowered:
.L_overlay_start_0:
0x88: {  	s2 =	sld [smem:$0x3FD9]  }
0x89: {  	s3 =	sld [smem:$0x3FFE];
	_ =	sdelay $0x1  }
0x8a: {  	s1 =	srdreg.scid  }
0x8b: {  	s0 =	sand.u32 $0x1, s1  }
0x8c: {  	s17 =	sshll.u32 s0, $0xA;
	s2 =	sadd.s32 s3, s2  }
0x8d: {  	s2 =	sadd.s32 s2, s17  }
0x8e: {  	[smem:$0x3FC4] =	sst s2  }
0x8f: {  	_ = 	snop  }
0x90: {  	s2 =	sld [smem:$0x3FD0];
	(tm) =	ssettm $0x1  }
0x91: {  	s18 =	sld [smem:$0x3FFB];
	_ =	sdelay $0x3  }
0x92: {  	_ =	strace s18  }
0x93: {  	s3 =	sld [smem:$0x3FFC];
	_ =	sdelay $0x3  }
0x94: {  	_ =	strace s3  }
0x95: {  	s3 =	sld [smem:$0x3FFD];
	_ =	sdelay $0x3  }
0x96: {  	_ =	strace s3  }
0x97: {  	_ =	strace $0x8FFFFFFF  }
0x98: {  	s19 =	sld [smem:$0x3FDB];
	_ =	sdelay $0x1  }
0x99: {  	s4 =	simm.s32 $_scs_section_size  }
0x9a: {  	s5 =	simm.s32 $_size__tile_overlayer_lowered;
	s6 =	simm.s32 $_tile_overlayer_lowered  }
0x9b: {  	s22 =	simm.s32 $0x1BFF;
	s21 =	sshll.u32 s6, $0x1;
	s3 =	sadd.s32 s4, s19  }
0x9c: {  	s7 =	simm.s32 $0x0;
	s20 =	sshll.u32 s5, $0x1;
	s5 =	sadd.s32 s21, s3  }
0x9d: {  	[timem:s7], [sflag:s22] =	dma.local [hbm:s5], s20  }
0x9e: {  	_ =	swait.ge [sflag:s22], s20  }
0x9f: {  	s4 =	ssub.s32 $0x0, s20;
	[sflag:s22] =	ssyncset.done $0x0  }
0xa0: {  	[sflag:s22] =	ssyncadd.s32 s4;
	_ =	sdelay $0x1  }
0xa1: {  	s23 =	simm.s32 $0x1B8B  }
0xa2: {  	_ =	swait.ge [sflag:s23], $0x1  }
0xa3: {  	[sflag:s23] =	ssyncset.done $0x0  }
0xa4: {  	s25 =	simm.s32 $0x1B8E;
	s24 =	sld [smem:$0x3FFE];
	[sflag:s23] =	ssyncadd.s32 $0xFFFFFFFF  }
0xa5: {  	s26 =	simm.s32 $execute0_lowered;
	[smem:$0x3FD2] =	sst s25  }
0xa6: {  	s5 =	sshll.u32 s26, $0x1;
	_ =	strace $0x80000049;
	[dreg:$0x1] =	wrdreg $0xFFFFFFFF  }
0xa7: {  	s28 =	simm.s32 $_size_execute0_lowered;
	s3 =	sadd.s32 s3, s5;
	[dreg:$0x0] =	wrdreg $0x0  }
0xa8: {  	s5 =	sshll.u32 s28, $0x1;
	[dreg:$0x2] =	wrdreg s3  }
0xa9: {  	[dreg:$0x3] =	wrdreg s5  }
0xaa: {  	[dreg:$0x4] =	wrdreg $0xC0  }
0xab: {  	_ =	task [dreg:s7], $0x5FFFF  }
0xac: {  	[dreg:$0x1] =	wrdreg $0xFFFFFFFF  }
0xad: {  	[dreg:$0x0] =	wrdreg $0x60  }
0xae: {  	[dreg:$0x2] =	wrdreg s24  }
0xaf: {  	[dreg:$0x3] =	wrdreg s2  }
0xb0: {  	[dreg:$0x4] =	wrdreg $0x9  }
0xb1: {  	_ =	task.clear_ibuf [dreg:s7], $0x5FFFF;
	_ =	strace $0x90000049  }
0xb2: {  	s29 =	simm.s32 $0x9;
	_ =	strace $0x8000004B  }
0xb3: {  	_ =	swait.ge [sflag:s29], $0x1  }
0xb4: {  	[sflag:s29] =	ssyncadd.s32 $0xFFFFFFFF  }
0xb5: {  	_ =	strace $0x9000004B  }
0xb6: {  	_ =	sfence  }
0xb7: {  	s30 =	sld [smem:$0x0];
	_ =	sdelay $0x2  }
0xb8: {  	s31 =	sshll.u32 s1, $0xD;
	s1 =	sshrl.u32 s1, $0x2  }
0xb9: {  	s3 =	sand.u32 $0x4000, s31;
	s1 =	sadd.s32 s1, s30  }
0xba: {  	s0 =	sor.u32 s3, s0;
	s1 =	sshll.u32 s1, $0x11  }
0xbb: {  	s0 =	sor.u32 s1, s0  }
0xbc: {  	s0 =	sadd.s32 $0x8F2B, s0  }
0xbd: {  	[sflag:s0] =	ssyncadd.remote.s32 $0x1  }
0xbe: {  	_ =	sfence.sel $0xFFFF  }
0xbf: {  	[dreg:$0x0] =	wrdreg $0xFFFFFFFF;
	(pc) =	sbr.abs _section_cstart, $3  }
0xc0: {  	[dreg:$0x1] =	wrdreg $0xFFFFFFFF  }
0xc1: {  	_ =	task.clear_ibuf [dreg:s7], $0x2FFFF;
	_ =	strace $0x9FFFFFFF  }
0xc2: {  	(tm) =	ssettm $0x7FFFFFFF  }
0xc3: {  	_ =	shalt  }
tec
execute0_lowered:
.L_overlay_start_1:
0x0: {  	(tag) =	ssettag $0x1  }
0x1: {  	s0 =	rddreg [dreg:$0x0]  }
0x2: {  	s12 =	rddreg [dreg:$0x1]  }
0x3: {  	s3 =	simm.s32 $0x0;
	s1 =	srdreg.scid;
	s9 =	stileid.u32  }
0x4: {  	s15 =	simm.s32 $0x2;
	s16 =	simm.s32 $0x109A0;
	s17 =	simm.s32 $0x80  }
0x5: {  	s19 =	simm.s32 $0x800;
	s14 =	simm.s32 $0x7800;
	s13 =	simm.s32 $0xA800  }
0x6: {  	s18 =	simm.s32 $0xE800;
	s20 =	simm.s32 $0x0;
	[smem:$0x7FF] =	sst s3  }
0x7: {  	s1 =	sand.u32 $0x1, s1;
	s2 =	sshll.u32 s9, $0x7;
	s5 =	sadd.s32 $0x9EC200, s0  }
0x8: {  	s9 =	sshll.u32 s9, $0xA;
	s10 =	sadd.s32 $0x4000, s12;
	s11 =	sadd.s32 $0x8000, s12  }
0x9: {  	s12 =	sadd.s32 $0xC000, s12;
	_ =	strace $0x8000004A;
	s4 =	ssub.s32 $0x2, s1  }
0xa: {  	s2 =	sadd.s32 s2, s0;
	[dreg:$0x3] =	wrdreg s5;
	s5 =	sadd.s32 $0xE00, s0  }
0xb: {  	s0 =	sadd.s32 $0x9EC000, s0;
	s7 =	smul.u32 $0xD, s1;
	s6 =	sshrl.u32 s4, $0x1  }
0xc: {  	s1 =	simm.s32 $0xC800;
	[dreg:$0x4] =	wrdreg s0;
	s31 =	ssub.s32 s4, s6  }
0xd: {  	v0 =	vlaneseq.u32;
	s8 =	sadd.s32 $0x9EC400, s2;
	s2 =	simm.s32 $0x780;
	s0 =	smax.u32 s31, $0x1  }
0xe: {  	v1 =	vmul.u32 $0x20, v0;
	s4 =	simm.s32 $0x1;
	s6 =	simm.s32 $0x8800;
	[dreg:$0x5] =	wrdreg s0  }
.LBB2_1:
0xf: {  	[dreg:$0x6] =	wrdreg s20  }
0x10: {  	s0 =	rddreg [dreg:$0x3];
	s30 =	simm.s32 $0x10800  }
0x11: {  	[tilespmem:s30], [sflag:$0x2] =	stream.linear.gather [hbm4b:s0+s3], $0x1A0, $0x38;
	[tilespmem:$0x10D20] =	vst v63  }
0x12: {  	_ =	swait.ge [sflag:s15], $0x1A0  }
0x13: {  	[sflag:s15] =	ssyncset.done $0x0  }
0x14: {  	s31 =	rddreg [dreg:$0x4];
	[sflag:s15] =	ssyncadd.s32 $0xFFFFFE60  }
0x15: {  	[tilespmem:s16], [sflag:$0x2] =	stream.linear.gather [hbm4b:s31+s3], $0x340, $0x38;
	[tilespmem:$0x10D20] =	vst v63  }
0x16: {  	_ =	swait.ge [sflag:s15], $0x340  }
0x17: {  	[sflag:s15] =	ssyncset.done $0x0  }
0x18: {  	s20 =	simm.s32 $0x0;
	[sflag:s15] =	ssyncadd.s32 $0xFFFFFCC0  }
.LBB2_2:
0x19: {  	s21 =	sadd.s32 s7, s20  }
0x1a: {  	s22 =	sshll.u32 s21, $0x4;
	s23 =	sshll.u32 s21, $0xB  }
0x1b: {  	s22 =	sand.u32 $0x3FFFFFF0, s22;
	s31 =	sadd.s32 s23, s8  }
0x1c: {  	v2 =	vld [tilespmem:s22+$0x10800];
	[tilespmem:s3], [sflag:$0x2] =	stream.linear.gather [hbm4b:s31+s3], $0x400, $0x38  }
0x1d: {  	_ =	swait.ge [sflag:s15], $0x400  }
0x1e: {  	[sflag:s15] =	ssyncset.done $0x0  }
0x1f: {  	s24 =	simm.s32 $0x40;
	[sflag:s15] =	ssyncadd.s32 $0xFFFFFC00  }
0x20: {  	v6 =	vld [tilespmem:s24+$0x30]  }
0x21: {  	v7 =	vld [tilespmem:s24+$0xFFFFFFD0]  }
0x22: {  	v8 =	vld [tilespmem:s24+$0xFFFFFFE0]  }
0x23: {  	v5 =	vld [tilespmem:s24+$0xFFFFFFF0]  }
0x24: {  	v3 =	vld [tilespmem:s24+$0x0]  }
0x25: {  	s22 =	simm.s32 $0x440;
	v4 =	vld [tilespmem:s24+$0x10];
	v9 =	vadd.s32 v2, v6  }
0x26: {  	v10 =	vadd.s32 v2, v7;
	v6 =	vld [tilespmem:s24+$0x20];
	[tilespmem:s22+$0x30] =	vst v9  }
0x27: {  	s23 =	simm.s32 $0x0;
	v7 =	vld [tilespmem:s24+$0xFFFFFFC0];
	v8 =	vadd.s32 v2, v8;
	s24 =	simm.s32 $0xC0;
	[tilespmem:s22+$0xFFFFFFD0] =	vst v10  }
.LBB2_3:
0x28: {  	v9 =	vld [tilespmem:s24+$0x30];
	s23 =	sadd.s32 $0x8, s23;
	[tilespmem:s22+$0xFFFFFFE0] =	vst v8;
	v5 =	vadd.s32 v2, v5  }
0x29: {  	v8 =	vld [tilespmem:s24+$0xFFFFFFD0];
	p0 =	slt.u32 s23, $0x38;
	[tilespmem:s22+$0xFFFFFFF0] =	vst v5;
	v3 =	vadd.s32 v2, v3  }
0x2a: {  	v10 =	vld [tilespmem:s24+$0xFFFFFFE0];
	[tilespmem:s22+$0x0] =	vst v3;
	v3 =	vadd.s32 v2, v4  }
.Ltmp0:
0x2b: {  	v5 =	vld [tilespmem:s24+$0xFFFFFFF0];
	[tilespmem:s22+$0x10] =	vst v3;
	v4 =	vadd.s32 v2, v6;
	(pc) =	sbr.rel @p0 .LBB2_3-.Ltmp0, $4  }
0x2c: {  	v3 =	vld [tilespmem:s24+$0x0];
	v6 =	vadd.s32 v2, v7;
	[tilespmem:s22+$0x20] =	vst v4  }
0x2d: {  	v4 =	vld [tilespmem:s24+$0x10];
	v7 =	vadd.s32 v2, v9;
	[tilespmem:s22+$0xFFFFFFC0] =	vst v6;
	s22 =	sadd.s32 $0x80, s22  }
0x2e: {  	v8 =	vadd.s32 v2, v8;
	v6 =	vld [tilespmem:s24+$0x20];
	[tilespmem:s22+$0x30] =	vst v7  }
0x2f: {  	v7 =	vld [tilespmem:s24+$0xFFFFFFC0];
	[tilespmem:s22+$0xFFFFFFD0] =	vst v8;
	v8 =	vadd.s32 v2, v10;
	s24 =	sadd.s32 $0x80, s24  }
0x30: {  	[tilespmem:s22+$0xFFFFFFE0] =	vst v8;
	v5 =	vadd.s32 v2, v5  }
0x31: {  	[tilespmem:s22+$0xFFFFFFF0] =	vst v5;
	v3 =	vadd.s32 v2, v3  }
0x32: {  	[tilespmem:s22+$0x0] =	vst v3;
	v3 =	vadd.s32 v2, v4  }
0x33: {  	[tilespmem:s22+$0x10] =	vst v3;
	v3 =	vadd.s32 v2, v6  }
0x34: {  	v2 =	vadd.s32 v2, v7;
	[tilespmem:s22+$0x20] =	vst v3  }
0x35: {  	s0 =	simm.s32 $0x400;
	[tilespmem:s22+$0xFFFFFFC0] =	vst v2  }
0x36: {  	[tilespmem:s19], [sflag:$0x1] =	stream.indirect.gather [hbm4b:s5+s17], $0x20, s0, s17, $0xb8;
	[tilespmem:$0x10D20] =	vst v63  }
0x37: {  	s28 =	simm.s32 $0x480;
	s29 =	simm.s32 $0x1800  }
0x38: {  	[tilespmem:s29], [sflag:$0x1] =	stream.indirect.gather [hbm4b:s5+s17], $0x20, s28, s17, $0xb8;
	[tilespmem:$0x10D20] =	vst v63  }
0x39: {  	s30 =	simm.s32 $0x500;
	s31 =	simm.s32 $0x2800  }
0x3a: {  	[tilespmem:s31], [sflag:$0x1] =	stream.indirect.gather [hbm4b:s5+s17], $0x20, s30, s17, $0xb8;
	[tilespmem:$0x10D20] =	vst v63  }
0x3b: {  	s23 =	simm.s32 $0x3800;
	s22 =	simm.s32 $0x580  }
0x3c: {  	[tilespmem:s23], [sflag:$0x1] =	stream.indirect.gather [hbm4b:s5+s17], $0x20, s22, s17, $0xb8;
	[tilespmem:$0x10D20] =	vst v63  }
0x3d: {  	s24 =	simm.s32 $0x600;
	s25 =	simm.s32 $0x4800  }
0x3e: {  	[tilespmem:s25], [sflag:$0x1] =	stream.indirect.gather [hbm4b:s5+s17], $0x20, s24, s17, $0xb8;
	[tilespmem:$0x10D20] =	vst v63  }
0x3f: {  	s26 =	simm.s32 $0x680;
	s28 =	simm.s32 $0x5800  }
0x40: {  	[tilespmem:s28], [sflag:$0x1] =	stream.indirect.gather [hbm4b:s5+s17], $0x20, s26, s17, $0xb8;
	[tilespmem:$0x10D20] =	vst v63  }
0x41: {  	s29 =	simm.s32 $0x700;
	s30 =	simm.s32 $0x6800  }
0x42: {  	[tilespmem:s30], [sflag:$0x1] =	stream.indirect.gather [hbm4b:s5+s17], $0x20, s29, s17, $0xb8;
	[tilespmem:$0x10D20] =	vst v63  }
0x43: {  	_ = 	snop  }
0x44: {  	[tilespmem:s14], [sflag:$0x1] =	stream.indirect.gather [hbm4b:s5+s17], $0x20, s2, s17, $0xb8;
	[tilespmem:$0x10D20] =	vst v63  }
0x45: {  	_ =	swait.ge [sflag:s4], $0x1000  }
0x46: {  	[sflag:s4] =	ssyncset.done $0x0  }
0x47: {  	[sflag:s4] =	ssyncadd.s32 $0xFFFFF000  }
0x48: {  	_ =	swait.ge [sflag:s4], $0x1000  }
0x49: {  	[sflag:s4] =	ssyncset.done $0x0  }
0x4a: {  	[sflag:s4] =	ssyncadd.s32 $0xFFFFF000  }
0x4b: {  	_ =	swait.ge [sflag:s4], $0x1000  }
0x4c: {  	[sflag:s4] =	ssyncset.done $0x0  }
0x4d: {  	[sflag:s4] =	ssyncadd.s32 $0xFFFFF000  }
0x4e: {  	_ =	swait.ge [sflag:s4], $0x1000  }
0x4f: {  	[sflag:s4] =	ssyncset.done $0x0  }
0x50: {  	[sflag:s4] =	ssyncadd.s32 $0xFFFFF000  }
0x51: {  	_ =	swait.ge [sflag:s4], $0x1000  }
0x52: {  	[sflag:s4] =	ssyncset.done $0x0  }
0x53: {  	[sflag:s4] =	ssyncadd.s32 $0xFFFFF000  }
0x54: {  	_ =	swait.ge [sflag:s4], $0x1000  }
0x55: {  	[sflag:s4] =	ssyncset.done $0x0  }
0x56: {  	[sflag:s4] =	ssyncadd.s32 $0xFFFFF000  }
0x57: {  	_ =	swait.ge [sflag:s4], $0x1000  }
0x58: {  	[sflag:s4] =	ssyncset.done $0x0  }
0x59: {  	[sflag:s4] =	ssyncadd.s32 $0xFFFFF000  }
0x5a: {  	_ =	swait.ge [sflag:s4], $0x1000  }
0x5b: {  	s31 =	sshll.u32 s21, $0x5;
	[sflag:s4] =	ssyncset.done $0x0  }
0x5c: {  	v2 =	vmov s31;
	s22 =	simm.s32 $0x0;
	[sflag:s4] =	ssyncadd.s32 $0xFFFFF000  }
.LBB2_5:
0x5d: {  	v3 =	vadd.s32 s22, v0  }
0x5e: {  	s24 =	simm.s32 $0x70;
	s25 =	simm.s32 $0x10;
	s26 =	simm.s32 $0x20;
	v5 =	vshll.u32 v3, $0xA;
	v6 =	vshll.u32 v3, $0x7;
	v4 =	vand.u32 $0x1F, v3  }
0x5f: {  	s28 =	simm.s32 $0x0;
	s30 =	simm.s32 $0x40;
	s31 =	simm.s32 $0x50;
	v7 =	vmov s24;
	v8 =	vmov s25;
	v9 =	vmov s26  }
0x60: {  	s0 =	simm.s32 $0xE0;
	v10 =	vmov s28;
	v12 =	vmov s30;
	v13 =	vmov s31  }
0x61: {  	v22 =	vmov s0;
	v3 =	vand.u32 $0x6000, v5;
	v5 =	vand.u32 $0x380, v6  }
0x62: {  	v6 =	vor.u32 v2, v4;
	v7 =	vshll.u32 v7, $0x5;
	v10 =	vshll.u32 v10, $0x5  }
0x63: {  	s23 =	simm.s32 $0x60;
	v8 =	vshll.u32 v8, $0x5;
	v9 =	vshll.u32 v9, $0x5;
	v12 =	vshll.u32 v12, $0x5  }
0x64: {  	v22 =	vshll.u32 v22, $0x5;
	v3 =	vor.u32 v5, v3;
	v5 =	vmov s23  }
0x65: {  	v10 =	vor.u32 v1, v10;
	v8 =	vor.u32 v1, v8;
	v9 =	vor.u32 v1, v9  }
0x66: {  	v12 =	vor.u32 v1, v12;
	v7 =	vor.u32 v1, v7;
	v22 =	vor.u32 v1, v22  }
0x67: {  	v3 =	vor.u32 v0, v3;
	v5 =	vshll.u32 v5, $0x5;
	v10 =	vor.u32 v4, v10  }
0x68: {  	v15 =	vor.u32 v4, v9;
	v12 =	vor.u32 v4, v12;
	v17 =	vor.u32 v4, v7  }
0x69: {  	v22 =	vor.u32 v4, v22;
	v5 =	vor.u32 v1, v5;
	v19 =	vor.u32 s23, v3  }
0x6a: {  	s29 =	simm.s32 $0x30;
	v20 =	vor.u32 s28, v3;
	v24 =	vor.u32 s25, v3;
	v28 =	vor.u32 s26, v3  }
0x6b: {  	v7 =	vor.u32 s29, v3;
	v9 =	vor.u32 s31, v3;
	s25 =	simm.s32 $0xB0;
	s28 =	simm.s32 $0x80;
	v11 =	vor.u32 v4, v5  }
0x6c: {  	v5 =	vmov s29;
	s29 =	simm.s32 $0xF0;
	v25 =	vmov s25;
	v26 =	vmov s28  }
0x6d: {  	v14 =	vshll.u32 v5, $0x5;
	v5 =	vld.idx.msk [tilespmem:v6+s16+$0x0], $0xffff;
	v6 =	vshll.u32 v13, $0x5;
	v18 =	vmov s29  }
0x6e: {  	v25 =	vshll.u32 v25, $0x5;
	v13 =	vor.u32 v1, v14;
	v6 =	vor.u32 v1, v6  }
0x6f: {  	s29 =	simm.s32 $0xC0;
	v14 =	vor.u32 v4, v8;
	v8 =	vor.u32 s24, v3;
	v18 =	vshll.u32 v18, $0x5;
	v10 =	vld.idx.msk [tilespmem:v10+s19+$0x0], $0xffff  }
0x70: {  	s24 =	simm.s32 $0xA0;
	v27 =	vmov s29;
	v25 =	vor.u32 v1, v25;
	v13 =	vor.u32 v4, v13;
	v15 =	vld.idx.msk [tilespmem:v15+s19+$0x0], $0xffff  }
0x71: {  	v16 =	vor.u32 v4, v6;
	v6 =	vor.u32 s30, v3;
	s30 =	simm.s32 $0x90;
	v23 =	vmov s24;
	v12 =	vld.idx.msk [tilespmem:v12+s19+$0x0], $0xffff  }
0x72: {  	v31 =	vor.u32 v1, v18;
	v32 =	vld.idx.msk [tilespmem:v17+s19+$0x0], $0xffff;
	v21 =	vmov s30;
	v23 =	vshll.u32 v23, $0x5  }
0x73: {  	s31 =	simm.s32 $0x460;
	v35 =	vld.idx.msk [tilespmem:v22+s19+$0x0], $0xffff;
	v17 =	vor.u32 v4, v25;
	v21 =	vshll.u32 v21, $0x5;
	v23 =	vor.u32 v1, v23  }
0x74: {  	s30 =	simm.s32 $0xD0;
	v11 =	vld.idx.msk [tilespmem:v11+s19+$0x0], $0xffff;
	v21 =	vor.u32 v1, v21;
	v18 =	vor.u32 v4, v23;
	v23 =	vor.u32 s31, v3  }
0x75: {  	v29 =	vld.idx.msk [tilespmem:v14+s19+$0x0], $0xffff;
	v14 =	vshll.u32 v26, $0x5;
	v26 =	vmov s30;
	v34 =	vor.u32 v4, v21  }
0x76: {  	s0 =	simm.s32 $0x400;
	v30 =	vld.idx.msk [tilespmem:v13+s19+$0x0], $0xffff;
	v13 =	vor.u32 v1, v14;
	v14 =	vshll.u32 v27, $0x5;
	v26 =	vshll.u32 v26, $0x5  }
0x77: {  	v27 =	vld.idx.msk [tilespmem:v16+s19+$0x0], $0xffff;
	v22 =	vadd.f32 v10, v5;
	v10 =	vor.u32 s0, v3;
	v14 =	vor.u32 v1, v14  }
0x78: {  	v26 =	vor.u32 v1, v26;
	v33 =	vor.u32 v4, v13;
	v13 =	vor.u32 v4, v31  }
0x79: {  	s26 =	simm.s32 $0x420;
	v11 =	vadd.f32 v11, v5;
	v16 =	vor.u32 v4, v14;
	v14 =	vor.u32 v4, v26  }
0x7a: {  	s25 =	simm.s32 $0x410;
	[tilespmem:v20+s6+$0x0] =	vst.idx.msk $0xffff, v22;
	v22 =	vadd.f32 v12, v5;
	v26 =	vor.u32 s26, v3;
	v25 =	vadd.f32 v29, v5  }
0x7b: {  	v20 =	vadd.f32 v32, v5;
	[tilespmem:v19+s6+$0x0] =	vst.idx.msk $0xffff, v11;
	v29 =	vadd.f32 v15, v5;
	v11 =	vor.u32 s25, v3  }
0x7c: {  	s23 =	simm.s32 $0x470;
	s31 =	simm.s32 $0x440;
	s30 =	simm.s32 $0x430;
	v15 =	vld.idx.msk [tilespmem:v34+s19+$0x0], $0xffff;
	v21 =	vadd.f32 v30, v5;
	v19 =	vadd.f32 v27, v5;
	[tilespmem:v24+s6+$0x0] =	vst.idx.msk $0xffff, v25  }
0x7d: {  	s24 =	simm.s32 $0x8;
	s26 =	simm.s32 $0x450;
	s25 =	simm.s32 $0x170;
	v27 =	vadd.f32 v35, v5;
	v12 =	vld.idx.msk [tilespmem:v33+s19+$0x0], $0xffff;
	v25 =	vor.u32 s30, v3;
	v24 =	vor.u32 s31, v3;
	[tilespmem:v28+s6+$0x0] =	vst.idx.msk $0xffff, v29  }
.LBB2_6:
0x7e: {  	s28 =	sadd.s32 $0xFFFFFFA0, s25;
	s29 =	sadd.s32 $0xFFFFFFF0, s25;
	v28 =	vmov s25;
	s24 =	sadd.s32 $0x8, s24;
	v29 =	vld.idx.msk [tilespmem:v18+s19+$0x0], $0xffff;
	v18 =	vor.u32 s26, v3;
	v30 =	vor.u32 s23, v3;
	v31 =	vmovc v26  }
0x7f: {  	s26 =	sadd.s32 $0xFFFFFFB0, s25;
	v26 =	vmov s28;
	s28 =	sadd.s32 $0xFFFFFFC0, s25;
	v32 =	vmov s29;
	v28 =	vshll.u32 v28, $0x5;
	p0 =	slt.u32 s24, $0x38;
	v33 =	vld.idx.msk [tilespmem:v17+s19+$0x0], $0xffff;
	[tilespmem:v23+s6+$0x0] =	vst.idx.msk $0xffff, v27  }
0x80: {  	s29 =	sadd.s32 $0xFFFFFF90, s25;
	v17 =	vmov s26;
	s26 =	sadd.s32 $0xFFFFFFD0, s25;
	v23 =	vmov s28;
	s28 =	sadd.s32 $0xFFFFFFE0, s25;
	v27 =	vshll.u32 v32, $0x5;
	v32 =	vld.idx.msk [tilespmem:v16+s19+$0x0], $0xffff;
	[tilespmem:v7+s6+$0x0] =	vst.idx.msk $0xffff, v21;
	v7 =	vmovc v25  }
0x81: {  	v16 =	vmov s29;
	v21 =	vmov s26;
	v25 =	vor.u32 v1, v27;
	v27 =	vld.idx.msk [tilespmem:v14+s19+$0x0], $0xffff;
	[tilespmem:v6+s6+$0x0] =	vst.idx.msk $0xffff, v22;
	v6 =	vmovc v24  }
0x82: {  	v14 =	vshll.u32 v16, $0x5;
	v16 =	vmov s28;
	v22 =	vor.u32 v4, v25;
	v24 =	vld.idx.msk [tilespmem:v13+s19+$0x0], $0xffff;
	[tilespmem:v9+s6+$0x0] =	vst.idx.msk $0xffff, v19;
	v9 =	vmovc v18  }
0x83: {  	v17 =	vshll.u32 v17, $0x5;
	v13 =	vshll.u32 v26, $0x5;
	v18 =	vshll.u32 v23, $0x5;
	[tilespmem:v8+s6+$0x0] =	vst.idx.msk $0xffff, v20;
	v8 =	vmovc v30  }
0x84: {  	v14 =	vor.u32 v1, v14;
	v19 =	vshll.u32 v21, $0x5;
	v16 =	vshll.u32 v16, $0x5  }
0x85: {  	v17 =	vor.u32 v1, v17;
	v13 =	vor.u32 v1, v13;
	v20 =	vor.u32 v1, v18  }
0x86: {  	v23 =	vor.u32 v1, v28;
	v19 =	vor.u32 v1, v19;
	v21 =	vor.u32 v1, v16  }
0x87: {  	s23 =	sadd.s32 $0x400, s23;
	v25 =	vor.u32 v4, v14;
	v18 =	vor.u32 v4, v17;
	v28 =	vor.u32 v4, v13;
	v30 =	vld.idx.msk [tilespmem:v22+s19+$0x0], $0xffff  }
0x88: {  	s29 =	sadd.s32 $0xFFFFFFA0, s23;
	v17 =	vor.u32 v4, v20;
	v16 =	vor.u32 v4, v19;
	v14 =	vor.u32 v4, v21  }
.Ltmp1:
0x89: {  	s26 =	sadd.s32 $0xFFFFFFF0, s23;
	s28 =	sadd.s32 $0xFFFFFF90, s23;
	v12 =	vadd.f32 v12, v5;
	v15 =	vadd.f32 v15, v5;
	v13 =	vor.u32 v4, v23;
	(pc) =	sbr.rel @p0 .LBB2_6-.Ltmp1, $4  }
0x8a: {  	s30 =	sadd.s32 $0xFFFFFFB0, s23;
	s31 =	sadd.s32 $0xFFFFFFC0, s23;
	s0 =	sadd.s32 $0xFFFFFFD0, s23;
	v29 =	vadd.f32 v29, v5;
	v23 =	vor.u32 s26, v3;
	v21 =	vadd.f32 v33, v5  }
0x8b: {  	s26 =	sadd.s32 $0xFFFFFFE0, s23;
	v19 =	vadd.f32 v27, v5;
	v22 =	vadd.f32 v32, v5;
	[tilespmem:v10+s6+$0x0] =	vst.idx.msk $0xffff, v12;
	v10 =	vor.u32 s28, v3  }
0x8c: {  	v26 =	vor.u32 s30, v3;
	v20 =	vadd.f32 v24, v5;
	v12 =	vld.idx.msk [tilespmem:v25+s19+$0x0], $0xffff;
	[tilespmem:v11+s6+$0x0] =	vst.idx.msk $0xffff, v15;
	v11 =	vor.u32 s29, v3  }
0x8d: {  	s25 =	sadd.s32 $0x80, s25;
	v24 =	vor.u32 s0, v3;
	v25 =	vor.u32 s31, v3;
	v27 =	vadd.f32 v30, v5;
	v15 =	vld.idx.msk [tilespmem:v28+s19+$0x0], $0xffff;
	[tilespmem:v31+s6+$0x0] =	vst.idx.msk $0xffff, v29  }
0x8e: {  	_ =	sdelay $0x3  }
0x8f: {  	v4 =	vld.idx.msk [tilespmem:v18+s19+$0x0], $0xffff;
	[tilespmem:v7+s6+$0x0] =	vst.idx.msk $0xffff, v21  }
0x90: {  	v17 =	vld.idx.msk [tilespmem:v17+s19+$0x0], $0xffff;
	[tilespmem:v6+s6+$0x0] =	vst.idx.msk $0xffff, v22  }
0x91: {  	v55 =	vld.idx.msk [tilespmem:v16+s19+$0x0], $0xffff;
	[tilespmem:v9+s6+$0x0] =	vst.idx.msk $0xffff, v19  }
0x92: {  	v56 =	vld.idx.msk [tilespmem:v14+s19+$0x0], $0xffff;
	[tilespmem:v8+s6+$0x0] =	vst.idx.msk $0xffff, v20;
	v57 =	vadd.f32 v12, v5  }
0x93: {  	v58 =	vld.idx.msk [tilespmem:v13+s19+$0x0], $0xffff;
	[tilespmem:v23+s6+$0x0] =	vst.idx.msk $0xffff, v27;
	v59 =	vadd.f32 v15, v5  }
0x94: {  	v60 =	vor.u32 s26, v3;
	s22 =	sadd.s32 $0x1, s22;
	v4 =	vadd.f32 v4, v5;
	[tilespmem:v10+s6+$0x0] =	vst.idx.msk $0xffff, v57  }
0x95: {  	v3 =	vor.u32 s23, v3;
	p0 =	sne.s32 s22, $0x20;
	v61 =	vadd.f32 v17, v5;
	[tilespmem:v11+s6+$0x0] =	vst.idx.msk $0xffff, v59  }
.Ltmp2:
0x96: {  	v7 =	vadd.f32 v55, v5;
	[tilespmem:v26+s6+$0x0] =	vst.idx.msk $0xffff, v4;
	(pc) =	sbr.rel @p0 .LBB2_5-.Ltmp2, $4  }
0x97: {  	v62 =	vadd.f32 v56, v5;
	[tilespmem:v25+s6+$0x0] =	vst.idx.msk $0xffff, v61  }
0x98: {  	v63 =	vadd.f32 v58, v5;
	[tilespmem:v24+s6+$0x0] =	vst.idx.msk $0xffff, v7  }
0x99: {  	[tilespmem:v60+s6+$0x0] =	vst.idx.msk $0xffff, v62  }
0x9a: {  	[tilespmem:v3+s6+$0x0] =	vst.idx.msk $0xffff, v63  }
0x9b: {  	s0 =	sshll.u32 s21, $0x10  }
0x9c: {  	s29 =	rddreg [dreg:$0x1];
	s0 =	sor.u32 s9, s0  }
0x9d: {  	s21 =	sadd.s32 s29, s0  }
0x9e: {  	[hbm4b:s21+s3] =	stream.linear.scatter [tilespmem:s6], [sflag:$0x2], $0x2000, $0x38;
	[tilespmem:$0x10D20] =	vst v63  }
0x9f: {  	_ =	swait.ge [sflag:s15], $0x2000  }
0xa0: {  	[sflag:s15] =	ssyncset.done $0x0  }
0xa1: {  	s30 =	sadd.s32 s0, s10;
	[sflag:s15] =	ssyncadd.s32 $0xFFFFE000  }
0xa2: {  	[hbm4b:s30+s3] =	stream.linear.scatter [tilespmem:s13], [sflag:$0x2], $0x2000, $0x38;
	[tilespmem:$0x10D20] =	vst v63  }
0xa3: {  	_ =	swait.ge [sflag:s15], $0x2000  }
0xa4: {  	[sflag:s15] =	ssyncset.done $0x0  }
0xa5: {  	s31 =	sadd.s32 s0, s11;
	[sflag:s15] =	ssyncadd.s32 $0xFFFFE000  }
0xa6: {  	[hbm4b:s31+s3] =	stream.linear.scatter [tilespmem:s1], [sflag:$0x2], $0x2000, $0x38;
	[tilespmem:$0x10D20] =	vst v63  }
0xa7: {  	s20 =	sadd.s32 $0x1, s20;
	_ =	swait.ge [sflag:s15], $0x2000  }
0xa8: {  	p0 =	sne.s32 s20, $0xD;
	[sflag:s15] =	ssyncset.done $0x0  }
.Ltmp3:
0xa9: {  	s0 =	sadd.s32 s0, s12;
	[sflag:s15] =	ssyncadd.s32 $0xFFFFE000;
	(pc) =	sbr.rel @p0 .LBB2_2-.Ltmp3, $4  }
0xaa: {  	[hbm4b:s0+s3] =	stream.linear.scatter [tilespmem:s18], [sflag:$0x2], $0x2000, $0x38;
	[tilespmem:$0x10D20] =	vst v63  }
0xab: {  	_ =	swait.ge [sflag:s15], $0x2000  }
0xac: {  	[sflag:s15] =	ssyncset.done $0x0  }
0xad: {  	[sflag:s15] =	ssyncadd.s32 $0xFFFFE000  }
0xae: {  	s20 =	rddreg [dreg:$0x6]  }
0xaf: {  	s0 =	rddreg [dreg:$0x5];
	s20 =	sadd.s32 $0x1, s20  }
0xb0: {  	p0 =	sne.s32 s20, s0  }
.Ltmp4:
0xb1: {  	_ = 	snop;
	(pc) =	sbr.rel @p0 .LBB2_1-.Ltmp4, $1  }
0xb2: {  	_ =	sdelay $0x3  }
0xb3: {  	_ =	sfence.sel $0x180000  }
0xb4: {  	[bflag:$0x0] =	sbarrier.arrive $0xFFFF  }
0xb5: {  	_ =	strace $0x9000004A  }
0xb6: {  	s0 =	stileid.u32;
	[bflag:$0x2] =	sbarrier.arrive $0xFFFF  }
0xb7: {  	p0 =	sne.s32 s0, $0x0;
	s0 =	rddreg [dreg:$0x2]  }
0xb8: {  	s0 =	sadd.s32 @!p0 $0x100000, s0  }
0xb9: {  	[sflag:s0] =	ssyncadd.tile.s32 @!p0 $0x1;
	_ =	shalt  }
.Lfunc_end2:
_tile_overlayer_lowered:
.L_overlay_start_2:
0xba: {  	(tag) =	ssettag $0x2  }
0xbb: {  	s0 =	rddreg [dreg:$0x0];
	s2 =	stileid.u32  }
0xbc: {  	s1 =	rddreg [dreg:$0x1];
	p0 =	sne.s32 s2, $0x0  }
0xbd: {  	s3 =	rddreg [dreg:$0x2];
	[bflag:$0x3] =	sbarrier.arrive $0xFFFF;
	s2 =	simm.s32 @!p0 $0x1C02  }
0xbe: {  	[timem:s3], [sflag:s2] =	dma.local @!p0 [hbm:s0], s1  }
0xbf: {  	s0 =	simm.s32 @!p0 $0x2  }
0xc0: {  	_ =	swait.ge @!p0 [sflag:s0], s1  }
0xc1: {  	s1 =	ssub.s32 @!p0 $0x0, s1;
	[sflag:s0] =	ssyncset.done @!p0 $0x0  }
0xc2: {  	[sflag:s0] =	ssyncadd.s32 @!p0 s1  }
0xc3: {  	[bflag:$0x3] =	sbarrier.arrive $0xFFFF  }
0xc4: {  	_ =	shalt  }

</sc_bundles>
